<compile_context>
chip_gen: v7x
topology: tpu7x:2x2x1
jax: 0.10.2.dev20260603
libtpu: 0.0.44.dev20260713+nightly
codegen_flags: <defaults>
</compile_context>

<pallas_src>
import functools

import jax
import jax.numpy as jnp
from jax import lax
from jax.experimental import pallas as pl
from jax.experimental.pallas import tpu as pltpu
from jax.experimental.pallas import tpu_sc as plsc

_NC = 2
_NS = 16
_NW = _NC * _NS
_CK = 80
_R = 2000


def _sc_mesh():
    return plsc.VectorSubcoreMesh(core_axis_name="c", subcore_axis_name="s")


def _tile_slices(n):
    sl = (((n + _NS - 1) // _NS) + 127) // 128 * 128
    return sl, sl * _NS



def _make_deg(n, ch):
    sl, np_ = _tile_slices(n)

    @functools.partial(
        pl.kernel,
        out_type=jax.ShapeDtypeStruct((_NC, 1, np_), jnp.float32),
        mesh=_sc_mesh(),
        scratch_types=[
            pltpu.VMEM((ch, _CK), jnp.int32),
            pltpu.VMEM((_CK,), jnp.float32),
            pltpu.VMEM_SHARED((np_,), jnp.float32),
        ],
    )
    def deg_k(dst_h, zrow_h, out_h, didx, ones_v, acc):
        c = lax.axis_index("c")
        s = lax.axis_index("s")
        w = c * _NS + s

        pltpu.sync_copy(zrow_h, acc.at[pl.ds(s * sl, sl)])
        pltpu.sync_copy(dst_h.at[w], didx)
        for i in range(_CK // 16):
            ones_v[pl.ds(i * 16, 16)] = jnp.ones((16,), jnp.float32)
        plsc.subcore_barrier()

        def step(j, carry):
            pltpu.sync_copy(ones_v, acc.at[didx.at[j]], add=True)
            return carry

        lax.fori_loop(0, ch, step, 0)
        plsc.subcore_barrier()
        pltpu.sync_copy(acc.at[pl.ds(s * sl, sl)],
                        out_h.at[c, 0, pl.ds(s * sl, sl)])

    return deg_k


def _make_scatter(n, h, ch):
    assert ch % 2 == 1 and ch >= 3
    sl, np_ = _tile_slices(n)

    @functools.partial(
        pl.kernel,
        out_type=jax.ShapeDtypeStruct((_NC, np_, h), jnp.float32),
        mesh=_sc_mesh(),
        scratch_types=[
            pltpu.VMEM((2, _CK), jnp.int32),
            pltpu.VMEM((2, _CK), jnp.int32),
            pltpu.VMEM((_CK, h // 4), jnp.float32),
            pltpu.VMEM((_CK, h // 4), jnp.float32),
            pltpu.VMEM_SHARED((np_, h), jnp.float32),
            pltpu.VMEM_SHARED((np_, h // 4), jnp.float32),
            pltpu.SemaphoreType.DMA,
            pltpu.SemaphoreType.DMA,
            pltpu.SemaphoreType.DMA,
            pltpu.SemaphoreType.DMA,
        ],
    )
    def scat_k(hn_h, idx_h, zr_h, out_h, idx_a, idx_b, rows_a, rows_b,
               acc, table, sem_ia, sem_ib, sem_ga, sem_gb):
        c = lax.axis_index("c")
        s = lax.axis_index("s")
        w = c * _NS + s

        pltpu.sync_copy(zr_h, acc.at[pl.ds(s * sl, sl)])
        pltpu.sync_copy(idx_h.at[w, 0], idx_a)
        plsc.subcore_barrier()

        def fire(j, carry):
            pltpu.async_copy(table.at[idx_a.at[0]], rows_a, sem_ga)
            pltpu.async_copy(rows_b, table.at[idx_a.at[1]], sem_gb, add=True)
            pltpu.async_copy(table.at[idx_a.at[0]], rows_a, sem_ga)
            pltpu.async_copy(rows_b, table.at[idx_a.at[1]], sem_gb, add=True)
            return carry

        lax.fori_loop(0, ch, fire, 0)

        def drain(j, carry):
            pltpu.make_async_copy(table.at[idx_a.at[0]], rows_a, sem_ga).wait()
            pltpu.make_async_copy(rows_b, table.at[idx_a.at[1]], sem_gb).wait()
            pltpu.make_async_copy(table.at[idx_a.at[0]], rows_a, sem_ga).wait()
            pltpu.make_async_copy(rows_b, table.at[idx_a.at[1]], sem_gb).wait()
            return carry

        lax.fori_loop(0, ch, drain, 0)
        plsc.subcore_barrier()
        pltpu.sync_copy(acc.at[pl.ds(s * sl, sl)],
                        out_h.at[c, pl.ds(s * sl, sl)])
    return scat_k



def _dense1(x, w1, b1, degp_t):
    n, fin = x.shape
    hh = w1.shape[1]
    nb = n // _R

    def body(x_r, w_r, b_r, dg_r, hn_r, dv_r):
        deg = dg_r[:, 0:1] + dg_r[:, 1:2] + 1.0
        dinv = lax.rsqrt(jnp.maximum(deg, 1.0))
        hv = lax.dot_general(x_r[...], w_r[...], (((1,), (0,)), ((), ())),
                             preferred_element_type=jnp.float32) + b_r[...]
        hn_r[...] = hv * dinv
        dv_r[...] = dinv

    return pl.pallas_call(
        body,
        grid=(nb,),
        in_specs=[
            pl.BlockSpec((_R, fin), lambda i: (i, 0)),
            pl.BlockSpec((fin, hh), lambda i: (0, 0)),
            pl.BlockSpec((1, hh), lambda i: (0, 0)),
            pl.BlockSpec((_R, 2), lambda i: (i, 0)),
        ],
        out_specs=[
            pl.BlockSpec((_R, hh), lambda i: (i, 0)),
            pl.BlockSpec((_R, 1), lambda i: (i, 0)),
        ],
        out_shape=[
            jax.ShapeDtypeStruct((n, hh), jnp.float32),
            jax.ShapeDtypeStruct((n, 1), jnp.float32),
        ],
    )(x, w1, b1, degp_t)


def _aggstats(p, hn, dinv):
    n, hh = hn.shape
    nb = n // _R

    def body(p_r, hn_r, dv_r, s_r, st_r, acc):
        i = pl.program_id(0)
        sb = (p_r[0] + p_r[1] + hn_r[...]) * dv_r[...]
        s_r[...] = sb
        part = jnp.concatenate(
            [jnp.sum(sb, axis=0, keepdims=True),
             jnp.sum(sb * sb, axis=0, keepdims=True)], axis=0)

        @pl.when(i == 0)
        def _():
            acc[...] = jnp.zeros_like(acc)

        acc[...] += part

        @pl.when(i == nb - 1)
        def _():
            st_r[...] = acc[...]

    return pl.pallas_call(
        body,
        grid=(nb,),
        in_specs=[
            pl.BlockSpec((2, _R, hh), lambda i: (0, i, 0)),
            pl.BlockSpec((_R, hh), lambda i: (i, 0)),
            pl.BlockSpec((_R, 1), lambda i: (i, 0)),
        ],
        out_specs=[
            pl.BlockSpec((_R, hh), lambda i: (i, 0)),
            pl.BlockSpec((2, hh), lambda i: (0, 0)),
        ],
        out_shape=[
            jax.ShapeDtypeStruct((n, hh), jnp.float32),
            jax.ShapeDtypeStruct((2, hh), jnp.float32),
        ],
        scratch_shapes=[pltpu.VMEM((2, hh), jnp.float32)],
    )(p, hn, dinv)


def _bnmlp(s, stats, g, be, a, w, b, dinv):
    n, hh = s.shape
    ho = w.shape[1]
    nb = n // _R
    inv_n = 1.0 / n

    def body(s_r, st_r, g_r, be_r, a_r, w_r, b_r, dv_r, o_r):
        mu = st_r[0:1] * inv_n
        var = st_r[1:2] * inv_n - mu * mu
        zn = (s_r[...] - mu) * lax.rsqrt(var + 1e-5) * g_r[...] + be_r[...]
        av = a_r[0, 0]
        z = jnp.where(zn >= 0, zn, av * zn)
        o_r[...] = (lax.dot_general(z, w_r[...], (((1,), (0,)), ((), ())),
                                    preferred_element_type=jnp.float32)
                    + b_r[...]) * dv_r[...]

    return pl.pallas_call(
        body,
        grid=(nb,),
        in_specs=[
            pl.BlockSpec((_R, hh), lambda i: (i, 0)),
            pl.BlockSpec((2, hh), lambda i: (0, 0)),
            pl.BlockSpec((1, hh), lambda i: (0, 0)),
            pl.BlockSpec((1, hh), lambda i: (0, 0)),
            pl.BlockSpec((1, 1), lambda i: (0, 0)),
            pl.BlockSpec((hh, ho), lambda i: (0, 0)),
            pl.BlockSpec((1, ho), lambda i: (0, 0)),
            pl.BlockSpec((_R, 1), lambda i: (i, 0)),
        ],
        out_specs=pl.BlockSpec((_R, ho), lambda i: (i, 0)),
        out_shape=jax.ShapeDtypeStruct((n, ho), jnp.float32),
    )(s, stats, g, be, a, w, b, dinv)


def _head(s, stats, g, be, a, wc, bc, y, y0, m):
    n, hh = s.shape
    ncls = wc.shape[1]
    nb = n // _R
    inv_n = 1.0 / n

    def body(s_r, st_r, g_r, be_r, a_r, w_r, b_r, y_r, y0_r, m_r,
             loss_r, probs_r, conf_r, corr_r, oc_r, ent_r, acc):
        i = pl.program_id(0)
        mu = st_r[0:1] * inv_n
        var = st_r[1:2] * inv_n - mu * mu
        zn = (s_r[...] - mu) * lax.rsqrt(var + 1e-5) * g_r[...] + be_r[...]
        av = a_r[0, 0]
        z = jnp.where(zn >= 0, zn, av * zn)
        logits = lax.dot_general(z, w_r[...], (((1,), (0,)), ((), ())),
                                 preferred_element_type=jnp.float32) + b_r[...]
        mx = jnp.max(logits, axis=1, keepdims=True)
        eu = jnp.exp(logits - mx)
        se = jnp.sum(eu, axis=1, keepdims=True)
        probs = eu / se
        probs_r[...] = probs
        logp = jnp.log(probs + 1e-8)
        ii = lax.broadcasted_iota(jnp.int32, (_R, ncls), 1)
        oneh = (ii == y_r[...]).astype(jnp.float32)
        picked = jnp.sum(logp * oneh, axis=1, keepdims=True)
        mv = m_r[...]
        conf = jnp.max(probs, axis=1, keepdims=True)
        conf_r[...] = conf
        ent_r[...] = -jnp.sum(probs * jnp.log(probs + 1e-12), axis=1,
                              keepdims=True)
        sel = jnp.min(jnp.where(probs == conf, ii, ncls), axis=1,
                      keepdims=True)
        corr = jnp.sum(jnp.where((sel == y_r[...]) & (mv > 0), 1.0, 0.0))
        ocor = jnp.sum(jnp.where((sel == y0_r[...]) & (mv > 0), 1.0, 0.0))
        ln = jnp.sum(picked * mv)
        ms = jnp.sum(mv)

        @pl.when(i == 0)
        def _():
            acc[0] = 0.0
            acc[1] = 0.0
            acc[2] = 0.0
            acc[3] = 0.0

        acc[0] += ln
        acc[1] += ms
        acc[2] += corr
        acc[3] += ocor

        @pl.when(i == nb - 1)
        def _():
            loss_r[...] = jnp.full((1, 1), -acc[0] / jnp.maximum(acc[1], 1.0),
                                   jnp.float32)
            corr_r[...] = jnp.full((1, 1), acc[2], jnp.float32)
            oc_r[...] = jnp.full((1, 1), acc[3], jnp.float32)

    return pl.pallas_call(
        body,
        grid=(nb,),
        in_specs=[
            pl.BlockSpec((_R, hh), lambda i: (i, 0)),
            pl.BlockSpec((2, hh), lambda i: (0, 0)),
            pl.BlockSpec((1, hh), lambda i: (0, 0)),
            pl.BlockSpec((1, hh), lambda i: (0, 0)),
            pl.BlockSpec((1, 1), lambda i: (0, 0)),
            pl.BlockSpec((hh, ncls), lambda i: (0, 0)),
            pl.BlockSpec((1, ncls), lambda i: (0, 0)),
            pl.BlockSpec((_R, 1), lambda i: (i, 0)),
            pl.BlockSpec((_R, 1), lambda i: (i, 0)),
            pl.BlockSpec((_R, 1), lambda i: (i, 0)),
        ],
        out_specs=[
            pl.BlockSpec((1, 1), lambda i: (0, 0)),
            pl.BlockSpec((_R, ncls), lambda i: (i, 0)),
            pl.BlockSpec((_R, 1), lambda i: (i, 0)),
            pl.BlockSpec((1, 1), lambda i: (0, 0)),
            pl.BlockSpec((1, 1), lambda i: (0, 0)),
            pl.BlockSpec((_R, 1), lambda i: (i, 0)),
        ],
        out_shape=[
            jax.ShapeDtypeStruct((1, 1), jnp.float32),
            jax.ShapeDtypeStruct((n, ncls), jnp.float32),
            jax.ShapeDtypeStruct((n, 1), jnp.float32),
            jax.ShapeDtypeStruct((1, 1), jnp.float32),
            jax.ShapeDtypeStruct((1, 1), jnp.float32),
            jax.ShapeDtypeStruct((n, 1), jnp.float32),
        ],
        scratch_shapes=[pltpu.SMEM((4,), jnp.float32)],
    )(s, stats, g, be, a, wc, bc, y, y0, m)



def kernel(x, edge_index, y, y0, mask, batch, W1, b1, g1, be1, a1,
           W2, b2, g2, be2, a2, Wc, bc):
    n, fin = x.shape
    hh = W1.shape[1]
    ncls = Wc.shape[1]
    e = edge_index.shape[1]
    ept = e // _NW
    ch = -(-ept // _CK)
    if ch % 2 == 0:
        ch += 1
    padn = ch * _CK - ept

    src2 = edge_index[0].reshape(_NW, ept)
    dst2 = edge_index[1].reshape(_NW, ept)
    if padn:
        src2 = jnp.concatenate(
            [src2, jnp.zeros((_NW, padn), jnp.int32)], axis=1)
        dst2 = jnp.concatenate(
            [dst2, jnp.full((_NW, padn), n, jnp.int32)], axis=1)
    src3 = src2.reshape(_NW, ch, _CK)
    dst3 = dst2.reshape(_NW, ch, _CK)
    idx4 = jnp.stack([src3, dst3], axis=2)
    sl, np_ = _tile_slices(n)
    zrow = jnp.zeros((sl,), jnp.float32)
    zrows = jnp.zeros((sl, hh), jnp.float32)

    degp = _make_deg(n, ch)(dst3, zrow)
    h1n, dinv = _dense1(x, W1, b1.reshape(1, hh),
                        degp.reshape(_NC, np_)[:, :n].T)
    scat = _make_scatter(n, hh, ch)
    p1 = scat(h1n, idx4, zrows)
    s1, st1 = _aggstats(p1, h1n, dinv)
    h2n = _bnmlp(s1, st1, g1.reshape(1, hh), be1.reshape(1, hh),
                 a1.reshape(1, 1), W2, b2.reshape(1, hh), dinv)
    p2 = scat(h2n, idx4, zrows)
    s2, st2 = _aggstats(p2, h2n, dinv)
    loss, probs, conf, corr, oc, ent = _head(
        s2, st2, g2.reshape(1, hh), be2.reshape(1, hh), a2.reshape(1, 1),
        Wc, bc.reshape(1, ncls), y.reshape(n, 1), y0.reshape(n, 1),
        mask.astype(jnp.float32).reshape(n, 1))
    return (loss.reshape(()), probs, conf.reshape(n), corr.reshape(()),
            oc.reshape(()), ent.reshape(n))

# --- scband reference (transcript-rebuilt; emitter-appended) ---
"""Pipeline reference for scband-base-classifier-39410619908784 (READ-ONLY COPY).

The authoritative reference and input builder live on the scoring server;
editing this copy changes nothing except your own understanding.
"""

import jax, jax.numpy as jnp
import numpy as np

N = 10000
E = 320000
FIN = 128
H = 128
NCLS = 10


def _gcn_layer(x, src, dst, W, b, n_nodes):
    # GCNConv-style: linear transform, then symmetric-normalized scatter-add with self-loops
    loop = jnp.arange(n_nodes, dtype=src.dtype)
    src2 = jnp.concatenate([src, loop])
    dst2 = jnp.concatenate([dst, loop])
    deg = jnp.zeros((n_nodes,), dtype=jnp.float32).at[dst2].add(1.0)
    dinv = 1.0 / jnp.sqrt(jnp.clip(deg, 1.0))
    norm = dinv[src2] * dinv[dst2]
    h = x @ W + b
    msgs = h[src2] * norm[:, None]
    return jnp.zeros((n_nodes, h.shape[1]), dtype=h.dtype).at[dst2].add(msgs)


def _batchnorm(x, gamma, beta, eps=1e-5):
    mu = x.mean(axis=0)
    var = x.var(axis=0)
    return (x - mu) / jnp.sqrt(var + eps) * gamma + beta


def _prelu(x, a):
    return jnp.where(x >= 0, x, a * x)


def setup_inputs(seed: int = 0) -> dict:
    key = jax.random.key(seed)
    ks = jax.random.split(key, 12)
    x = jax.random.normal(ks[0], (N, FIN), dtype=jnp.float32)
    edge_index = jax.random.randint(ks[1], (2, E), 0, N).astype(jnp.int32)
    y = jax.random.randint(ks[2], (N,), 0, NCLS).astype(jnp.int32)
    y0 = jax.random.randint(ks[3], (N,), 0, NCLS).astype(jnp.int32)
    mask = jnp.ones((N,), dtype=bool)
    batch = jnp.zeros((N,), dtype=jnp.int32)
    W1 = jax.random.normal(ks[4], (FIN, H), dtype=jnp.float32) * 0.05
    b1 = jnp.zeros((H,), dtype=jnp.float32)
    g1 = jnp.ones((H,), dtype=jnp.float32)
    be1 = jnp.zeros((H,), dtype=jnp.float32)
    a1 = jnp.array(0.25, dtype=jnp.float32)
    W2 = jax.random.normal(ks[5], (H, H), dtype=jnp.float32) * 0.05
    b2 = jnp.zeros((H,), dtype=jnp.float32)
    g2 = jnp.ones((H,), dtype=jnp.float32)
    be2 = jnp.zeros((H,), dtype=jnp.float32)
    a2 = jnp.array(0.25, dtype=jnp.float32)
    Wc = jax.random.normal(ks[6], (H, NCLS), dtype=jnp.float32) * 0.05
    bc = jnp.zeros((NCLS,), dtype=jnp.float32)
    return {"x": x, "edge_index": edge_index, "y": y, "y0": y0, "mask": mask, "batch": batch,
            "W1": W1, "b1": b1, "g1": g1, "be1": be1, "a1": a1,
            "W2": W2, "b2": b2, "g2": g2, "be2": be2, "a2": a2,
            "Wc": Wc, "bc": bc}


def reference(x, edge_index, y, y0, mask, batch, W1, b1, g1, be1, a1, W2, b2, g2, be2, a2, Wc, bc):
    n_nodes = x.shape[0]
    src, dst = edge_index[0], edge_index[1]
    h = _gcn_layer(x, src, dst, W1, b1, n_nodes)
    h = _prelu(_batchnorm(h, g1, be1), a1)
    h = _gcn_layer(h, src, dst, W2, b2, n_nodes)
    h = _prelu(_batchnorm(h, g2, be2), a2)
    logits = h @ Wc + bc
    probs = jax.nn.softmax(logits, axis=-1)
    logp = jnp.log(probs + 1e-8)
    picked = jnp.take_along_axis(logp, y[:, None].astype(jnp.int32), axis=1)[:, 0]
    m = mask.astype(jnp.float32)
    loss = -(picked * m).sum() / jnp.clip(m.sum(), 1.0)
    confidence = probs.max(axis=-1)
    sel = probs.argmax(axis=-1).astype(y.dtype)
    correct = ((sel == y) & mask).astype(jnp.float32).sum()
    original_correct = ((sel == y0) & mask).astype(jnp.float32).sum()
    ent = -(probs * jnp.log(probs + 1e-12)).sum(axis=-1)
    return (loss, probs, confidence, correct, original_correct, ent)

if __name__ == "__main__":
    import jax
    _d = setup_inputs()
    print(jax.jit(kernel)(*tuple(_d.values())))

</pallas_src>

<mosaic_0001>
#map = affine_map<(d0, d1) -> (0, 0, 0)>
#map1 = affine_map<(d0, d1) -> (0)>
module attributes {stable_mosaic.version = 14 : i64} {
  func.func @deg_k(%arg0: i32, %arg1: i32, %arg2: memref<32x125x80xi32, #tpu.memory_space<hbm>>, %arg3: memref<640xf32, #tpu.memory_space<hbm>>, %arg4: memref<2x1x10240xf32, #tpu.memory_space<hbm>>, %arg5: memref<125x80xi32, #tpu.memory_space<vmem>>, %arg6: memref<80xf32, #tpu.memory_space<vmem>>, %arg7: memref<10240xf32, #tpu.memory_space<vmem_shared>>) attributes {dimension_semantics = [#tpu.dimension_semantics<core_parallel>, #tpu.dimension_semantics<subcore_parallel>], iteration_bounds = array<i64: 2, 16>, scalar_prefetch = 0 : i64, scratch_operands = 3 : i64, tpu.core_type = #tpu.core_type<sc_vector_subcore>, window_params = [{transform_indices = #map}, {transform_indices = #map1}, {transform_indices = #map}]} {
    %mul3A = arith.constant 16 : i32
    %mul3A_0 = arith.muli %arg0, %mul3A : i32
    %add3A = arith.addi %mul3A_0, %arg1 : i32
    %mul3A_1 = arith.constant 640 : i32
    %mul3A_2 = arith.muli %arg1, %mul3A_1 : i32
    "tpu.region"() ({
      %run_scoped3A_41 = tpu.sem_alloc : memref<!tpu.dma_semaphore, #tpu.memory_space<semaphore_mem>>
      %dma_start3A = tpu.memref_slice %arg7[%mul3A_2] : memref<10240xf32, #tpu.memory_space<vmem_shared>> -> memref<640xf32, #tpu.memory_space<vmem_shared>>
      tpu.enqueue_dma source(%arg3 : memref<640xf32, #tpu.memory_space<hbm>>) target(%dma_start3A : memref<640xf32, #tpu.memory_space<vmem_shared>>) target_semaphore(%run_scoped3A_41 : memref<!tpu.dma_semaphore, #tpu.memory_space<semaphore_mem>>)
      %dma_wait3A = tpu.memref_slice %arg7[%mul3A_2] : memref<10240xf32, #tpu.memory_space<vmem_shared>> -> memref<640xf32, #tpu.memory_space<vmem_shared>>
      tpu.wait_dma2 semaphore(%run_scoped3A_41 : memref<!tpu.dma_semaphore, #tpu.memory_space<semaphore_mem>>) src(%arg3 : memref<640xf32, #tpu.memory_space<hbm>>) dst(%dma_wait3A : memref<640xf32, #tpu.memory_space<vmem_shared>>)
      tpu.yield
    }) : () -> ()
    "tpu.region"() ({
      %run_scoped3A_41 = tpu.sem_alloc : memref<!tpu.dma_semaphore, #tpu.memory_space<semaphore_mem>>
      %dma_start3A = arith.constant 0 : i32
      %dma_start3A_42 = arith.constant 0 : i32
      %dma_start3A_43 = tpu.memref_slice %arg2[%add3A, %dma_start3A, %dma_start3A_42] : memref<32x125x80xi32, #tpu.memory_space<hbm>> -> memref<1x125x80xi32, #tpu.memory_space<hbm>>
      %dma_start3A_44 = tpu.memref_squeeze %dma_start3A_43 : memref<1x125x80xi32, #tpu.memory_space<hbm>> -> memref<125x80xi32, #tpu.memory_space<hbm>>
      %dma_start3A_45 = arith.constant 0 : i32
      %dma_start3A_46 = arith.constant 0 : i32
      %dma_start3A_47 = tpu.memref_slice %arg2[%add3A, %dma_start3A_45, %dma_start3A_46] : memref<32x125x80xi32, #tpu.memory_space<hbm>> -> memref<1x125x80xi32, #tpu.memory_space<hbm>>
      %dma_start3A_48 = tpu.memref_squeeze %dma_start3A_47 : memref<1x125x80xi32, #tpu.memory_space<hbm>> -> memref<125x80xi32, #tpu.memory_space<hbm>>
      tpu.enqueue_dma source(%dma_start3A_48 : memref<125x80xi32, #tpu.memory_space<hbm>>) target(%arg5 : memref<125x80xi32, #tpu.memory_space<vmem>>) target_semaphore(%run_scoped3A_41 : memref<!tpu.dma_semaphore, #tpu.memory_space<semaphore_mem>>)
      %dma_wait3A = arith.constant 0 : i32
      %dma_wait3A_49 = arith.constant 0 : i32
      %dma_wait3A_50 = tpu.memref_slice %arg2[%add3A, %dma_wait3A, %dma_wait3A_49] : memref<32x125x80xi32, #tpu.memory_space<hbm>> -> memref<1x125x80xi32, #tpu.memory_space<hbm>>
      %dma_wait3A_51 = tpu.memref_squeeze %dma_wait3A_50 : memref<1x125x80xi32, #tpu.memory_space<hbm>> -> memref<125x80xi32, #tpu.memory_space<hbm>>
      %dma_wait3A_52 = arith.constant 0 : i32
      %dma_wait3A_53 = arith.constant 0 : i32
      %dma_wait3A_54 = tpu.memref_slice %arg2[%add3A, %dma_wait3A_52, %dma_wait3A_53] : memref<32x125x80xi32, #tpu.memory_space<hbm>> -> memref<1x125x80xi32, #tpu.memory_space<hbm>>
      %dma_wait3A_55 = tpu.memref_squeeze %dma_wait3A_54 : memref<1x125x80xi32, #tpu.memory_space<hbm>> -> memref<125x80xi32, #tpu.memory_space<hbm>>
      tpu.wait_dma2 semaphore(%run_scoped3A_41 : memref<!tpu.dma_semaphore, #tpu.memory_space<semaphore_mem>>) src(%dma_wait3A_55 : memref<125x80xi32, #tpu.memory_space<hbm>>) dst(%arg5 : memref<125x80xi32, #tpu.memory_space<vmem>>)
      tpu.yield
    }) : () -> ()
    %broadcast_in_dim3A = arith.constant 1.000000e+00 : f32
    %broadcast_in_dim3A_3 = vector.broadcast %broadcast_in_dim3A : f32 to vector<16xf32>
    %swap3A = arith.constant 0 : index
    %swap3A_4 = tpu.vector_load %arg6[%swap3A] {strides = array<i32>} : memref<80xf32, #tpu.memory_space<vmem>>, vector<16xf32>,
    %swap3A_5 = vector.shape_cast %swap3A_4 : vector<16xf32> to vector<16xf32>
    %swap3A_6 = vector.shape_cast %broadcast_in_dim3A_3 : vector<16xf32> to vector<16xf32>
    tpu.vector_store %arg6[%swap3A], %swap3A_6 {strides = array<i32>} : memref<80xf32, #tpu.memory_space<vmem>>, vector<16xf32>,
    %broadcast_in_dim3A_7 = arith.constant 1.000000e+00 : f32
    %broadcast_in_dim3A_8 = vector.broadcast %broadcast_in_dim3A_7 : f32 to vector<16xf32>
    %swap3A_9 = arith.constant 16 : index
    %swap3A_10 = tpu.vector_load %arg6[%swap3A_9] {strides = array<i32>} : memref<80xf32, #tpu.memory_space<vmem>>, vector<16xf32>,
    %swap3A_11 = vector.shape_cast %swap3A_10 : vector<16xf32> to vector<16xf32>
    %swap3A_12 = vector.shape_cast %broadcast_in_dim3A_8 : vector<16xf32> to vector<16xf32>
    tpu.vector_store %arg6[%swap3A_9], %swap3A_12 {strides = array<i32>} : memref<80xf32, #tpu.memory_space<vmem>>, vector<16xf32>,
    %broadcast_in_dim3A_13 = arith.constant 1.000000e+00 : f32
    %broadcast_in_dim3A_14 = vector.broadcast %broadcast_in_dim3A_13 : f32 to vector<16xf32>
    %swap3A_15 = arith.constant 32 : index
    %swap3A_16 = tpu.vector_load %arg6[%swap3A_15] {strides = array<i32>} : memref<80xf32, #tpu.memory_space<vmem>>, vector<16xf32>,
    %swap3A_17 = vector.shape_cast %swap3A_16 : vector<16xf32> to vector<16xf32>
    %swap3A_18 = vector.shape_cast %broadcast_in_dim3A_14 : vector<16xf32> to vector<16xf32>
    tpu.vector_store %arg6[%swap3A_15], %swap3A_18 {strides = array<i32>} : memref<80xf32, #tpu.memory_space<vmem>>, vector<16xf32>,
    %broadcast_in_dim3A_19 = arith.constant 1.000000e+00 : f32
    %broadcast_in_dim3A_20 = vector.broadcast %broadcast_in_dim3A_19 : f32 to vector<16xf32>
    %swap3A_21 = arith.constant 48 : index
    %swap3A_22 = tpu.vector_load %arg6[%swap3A_21] {strides = array<i32>} : memref<80xf32, #tpu.memory_space<vmem>>, vector<16xf32>,
    %swap3A_23 = vector.shape_cast %swap3A_22 : vector<16xf32> to vector<16xf32>
    %swap3A_24 = vector.shape_cast %broadcast_in_dim3A_20 : vector<16xf32> to vector<16xf32>
    tpu.vector_store %arg6[%swap3A_21], %swap3A_24 {strides = array<i32>} : memref<80xf32, #tpu.memory_space<vmem>>, vector<16xf32>,
    %broadcast_in_dim3A_25 = arith.constant 1.000000e+00 : f32
    %broadcast_in_dim3A_26 = vector.broadcast %broadcast_in_dim3A_25 : f32 to vector<16xf32>
    %swap3A_27 = arith.constant 64 : index
    %swap3A_28 = tpu.vector_load %arg6[%swap3A_27] {strides = array<i32>} : memref<80xf32, #tpu.memory_space<vmem>>, vector<16xf32>,
    %swap3A_29 = vector.shape_cast %swap3A_28 : vector<16xf32> to vector<16xf32>
    %swap3A_30 = vector.shape_cast %broadcast_in_dim3A_26 : vector<16xf32> to vector<16xf32>
    tpu.vector_store %arg6[%swap3A_27], %swap3A_30 {strides = array<i32>} : memref<80xf32, #tpu.memory_space<vmem>>, vector<16xf32>,
    %barrier3A = arith.constant 0 : index
    tpu.barrier barrier_id(%barrier3A)
    %scan3A = arith.constant 0 : i32
    %scan3A_31 = arith.constant 0 : i32
    %scan3A_32 = arith.constant 125 : i32
    %scan3A_33 = arith.addi %scan3A_31, %scan3A_32 : i32
    %scan3A_34 = arith.constant 1 : i32
    scf.for %scan3A_41 = %scan3A_31 to %scan3A_33 step %scan3A_34  : i32 {
      "tpu.region"() ({
        %run_scoped3A_42 = tpu.sem_alloc : memref<!tpu.dma_semaphore, #tpu.memory_space<semaphore_mem>>
        %dma_start3A = arith.constant 0 : i32
        %dma_start3A_43 = tpu.memref_slice %arg5[%scan3A_41, %dma_start3A] : memref<125x80xi32, #tpu.memory_space<vmem>> -> memref<1x80xi32, #tpu.memory_space<vmem>>
        %dma_start3A_44 = tpu.memref_squeeze %dma_start3A_43 : memref<1x80xi32, #tpu.memory_space<vmem>> -> memref<80xi32, #tpu.memory_space<vmem>>
        %dma_start3A_45 = arith.constant 0 : i32
        %dma_start3A_46 = tpu.memref_slice %arg7[%dma_start3A_45] : memref<10240xf32, #tpu.memory_space<vmem_shared>> -> memref<10240xf32, #tpu.memory_space<vmem_shared>>
        tpu.enqueue_indirect_dma source(%arg6 : memref<80xf32, #tpu.memory_space<vmem>>) target(%dma_start3A_46 : memref<10240xf32, #tpu.memory_space<vmem_shared>>) offsets(%dma_start3A_44 : memref<80xi32, #tpu.memory_space<vmem>>) semaphore(%run_scoped3A_42 : memref<!tpu.dma_semaphore, #tpu.memory_space<semaphore_mem>>) {add = true}
        %dma_wait3A = arith.constant 0 : i32
        %dma_wait3A_47 = tpu.memref_slice %arg5[%scan3A_41, %dma_wait3A] : memref<125x80xi32, #tpu.memory_space<vmem>> -> memref<1x80xi32, #tpu.memory_space<vmem>>
        %dma_wait3A_48 = tpu.memref_squeeze %dma_wait3A_47 : memref<1x80xi32, #tpu.memory_space<vmem>> -> memref<80xi32, #tpu.memory_space<vmem>>
        %dma_wait3A_49 = arith.constant 0 : i32
        %dma_wait3A_50 = tpu.memref_slice %arg7[%dma_wait3A_49] : memref<10240xf32, #tpu.memory_space<vmem_shared>> -> memref<10240xf32, #tpu.memory_space<vmem_shared>>
        tpu.wait_indirect_dma semaphore(%run_scoped3A_42 : memref<!tpu.dma_semaphore, #tpu.memory_space<semaphore_mem>>) src(%arg6 : memref<80xf32, #tpu.memory_space<vmem>>) dst(%dma_wait3A_50 : memref<10240xf32, #tpu.memory_space<vmem_shared>>)
        tpu.yield
      }) : () -> ()
    }
    %scan3A_35 = arith.constant 125 : i32
    %barrier3A_36 = arith.constant 0 : index
    tpu.barrier barrier_id(%barrier3A_36)
    %mul3A_37 = arith.constant 640 : i32
    %mul3A_38 = arith.muli %arg1, %mul3A_37 : i32
    %mul3A_39 = arith.constant 640 : i32
    %mul3A_40 = arith.muli %arg1, %mul3A_39 : i32
    %run_scoped3A = arith.constant 0 : i32
    "tpu.region"() ({
      %run_scoped3A_41 = tpu.sem_alloc : memref<!tpu.dma_semaphore, #tpu.memory_space<semaphore_mem>>
      %dma_start3A = tpu.memref_slice %arg4[%arg0, %run_scoped3A, %mul3A_40] : memref<2x1x10240xf32, #tpu.memory_space<hbm>> -> memref<1x1x640xf32, #tpu.memory_space<hbm>>
      %dma_start3A_42 = tpu.memref_squeeze %dma_start3A : memref<1x1x640xf32, #tpu.memory_space<hbm>> -> memref<640xf32, #tpu.memory_space<hbm>>
      %dma_start3A_43 = tpu.memref_slice %arg7[%mul3A_38] : memref<10240xf32, #tpu.memory_space<vmem_shared>> -> memref<640xf32, #tpu.memory_space<vmem_shared>>
      tpu.enqueue_dma source(%dma_start3A_43 : memref<640xf32, #tpu.memory_space<vmem_shared>>) target(%dma_start3A_42 : memref<640xf32, #tpu.memory_space<hbm>>) target_semaphore(%run_scoped3A_41 : memref<!tpu.dma_semaphore, #tpu.memory_space<semaphore_mem>>)
      %dma_wait3A = tpu.memref_slice %arg4[%arg0, %run_scoped3A, %mul3A_40] : memref<2x1x10240xf32, #tpu.memory_space<hbm>> -> memref<1x1x640xf32, #tpu.memory_space<hbm>>
      %dma_wait3A_44 = tpu.memref_squeeze %dma_wait3A : memref<1x1x640xf32, #tpu.memory_space<hbm>> -> memref<640xf32, #tpu.memory_space<hbm>>
      %dma_wait3A_45 = tpu.memref_slice %arg7[%mul3A_38] : memref<10240xf32, #tpu.memory_space<vmem_shared>> -> memref<640xf32, #tpu.memory_space<vmem_shared>>
      tpu.wait_dma2 semaphore(%run_scoped3A_41 : memref<!tpu.dma_semaphore, #tpu.memory_space<semaphore_mem>>) src(%dma_wait3A_45 : memref<640xf32, #tpu.memory_space<vmem_shared>>) dst(%dma_wait3A_44 : memref<640xf32, #tpu.memory_space<hbm>>)
      tpu.yield
    }) : () -> ()
    return
  }
}

#map = affine_map<(d0, d1) -> (0, 0)>
#map1 = affine_map<(d0, d1) -> (0, 0, 0, 0)>
#map2 = affine_map<(d0, d1) -> (0, 0, 0)>
module attributes {stable_mosaic.version = 14 : i64} {
  func.func @scat_k(%arg0: i32, %arg1: i32, %arg2: memref<10000x128xf32, #tpu.memory_space<hbm>>, %arg3: memref<32x125x2x80xi32, #tpu.memory_space<hbm>>, %arg4: memref<640x128xf32, #tpu.memory_space<hbm>>, %arg5: memref<2x10240x128xf32, #tpu.memory_space<hbm>>, %arg6: memref<2x80xi32, #tpu.memory_space<vmem>>, %arg7: memref<2x80xi32, #tpu.memory_space<vmem>>, %arg8: memref<80x32xf32, #tpu.memory_space<vmem>>, %arg9: memref<80x32xf32, #tpu.memory_space<vmem>>, %arg10: memref<10240x128xf32, #tpu.memory_space<vmem_shared>>, %arg11: memref<10240x32xf32, #tpu.memory_space<vmem_shared>>, %arg12: memref<!tpu.dma_semaphore, #tpu.memory_space<semaphore_mem>>, %arg13: memref<!tpu.dma_semaphore, #tpu.memory_space<semaphore_mem>>, %arg14: memref<!tpu.dma_semaphore, #tpu.memory_space<semaphore_mem>>, %arg15: memref<!tpu.dma_semaphore, #tpu.memory_space<semaphore_mem>>) attributes {dimension_semantics = [#tpu.dimension_semantics<core_parallel>, #tpu.dimension_semantics<subcore_parallel>], iteration_bounds = array<i64: 2, 16>, scalar_prefetch = 0 : i64, scratch_operands = 10 : i64, tpu.core_type = #tpu.core_type<sc_vector_subcore>, window_params = [{transform_indices = #map}, {transform_indices = #map1}, {transform_indices = #map}, {transform_indices = #map2}]} {
    %mul3A = arith.constant 16 : i32
    %mul3A_0 = arith.muli %arg0, %mul3A : i32
    %add3A = arith.addi %mul3A_0, %arg1 : i32
    %mul3A_1 = arith.constant 640 : i32
    %mul3A_2 = arith.muli %arg1, %mul3A_1 : i32
    "tpu.region"() ({
      %run_scoped3A_19 = tpu.sem_alloc : memref<!tpu.dma_semaphore, #tpu.memory_space<semaphore_mem>>
      %dma_start3A = arith.constant 0 : i32
      %dma_start3A_20 = tpu.memref_slice %arg10[%mul3A_2, %dma_start3A] : memref<10240x128xf32, #tpu.memory_space<vmem_shared>> -> memref<640x128xf32, #tpu.memory_space<vmem_shared>>
      tpu.enqueue_dma source(%arg4 : memref<640x128xf32, #tpu.memory_space<hbm>>) target(%dma_start3A_20 : memref<640x128xf32, #tpu.memory_space<vmem_shared>>) target_semaphore(%run_scoped3A_19 : memref<!tpu.dma_semaphore, #tpu.memory_space<semaphore_mem>>)
      %dma_wait3A = arith.constant 0 : i32
      %dma_wait3A_21 = tpu.memref_slice %arg10[%mul3A_2, %dma_wait3A] : memref<10240x128xf32, #tpu.memory_space<vmem_shared>> -> memref<640x128xf32, #tpu.memory_space<vmem_shared>>
      tpu.wait_dma2 semaphore(%run_scoped3A_19 : memref<!tpu.dma_semaphore, #tpu.memory_space<semaphore_mem>>) src(%arg4 : memref<640x128xf32, #tpu.memory_space<hbm>>) dst(%dma_wait3A_21 : memref<640x128xf32, #tpu.memory_space<vmem_shared>>)
      tpu.yield
    }) : () -> ()
    %run_scoped3A = arith.constant 0 : i32
    "tpu.region"() ({
      %run_scoped3A_19 = tpu.sem_alloc : memref<!tpu.dma_semaphore, #tpu.memory_space<semaphore_mem>>
      %dma_start3A = arith.constant 0 : i32
      %dma_start3A_20 = arith.constant 0 : i32
      %dma_start3A_21 = tpu.memref_slice %arg3[%add3A, %run_scoped3A, %dma_start3A, %dma_start3A_20] : memref<32x125x2x80xi32, #tpu.memory_space<hbm>> -> memref<1x1x2x80xi32, #tpu.memory_space<hbm>>
      %dma_start3A_22 = tpu.memref_squeeze %dma_start3A_21 : memref<1x1x2x80xi32, #tpu.memory_space<hbm>> -> memref<2x80xi32, #tpu.memory_space<hbm>>
      %dma_start3A_23 = arith.constant 0 : i32
      %dma_start3A_24 = arith.constant 0 : i32
      %dma_start3A_25 = tpu.memref_slice %arg3[%add3A, %run_scoped3A, %dma_start3A_23, %dma_start3A_24] : memref<32x125x2x80xi32, #tpu.memory_space<hbm>> -> memref<1x1x2x80xi32, #tpu.memory_space<hbm>>
      %dma_start3A_26 = tpu.memref_squeeze %dma_start3A_25 : memref<1x1x2x80xi32, #tpu.memory_space<hbm>> -> memref<2x80xi32, #tpu.memory_space<hbm>>
      tpu.enqueue_dma source(%dma_start3A_26 : memref<2x80xi32, #tpu.memory_space<hbm>>) target(%arg6 : memref<2x80xi32, #tpu.memory_space<vmem>>) target_semaphore(%run_scoped3A_19 : memref<!tpu.dma_semaphore, #tpu.memory_space<semaphore_mem>>)
      %dma_wait3A = arith.constant 0 : i32
      %dma_wait3A_27 = arith.constant 0 : i32
      %dma_wait3A_28 = tpu.memref_slice %arg3[%add3A, %run_scoped3A, %dma_wait3A, %dma_wait3A_27] : memref<32x125x2x80xi32, #tpu.memory_space<hbm>> -> memref<1x1x2x80xi32, #tpu.memory_space<hbm>>
      %dma_wait3A_29 = tpu.memref_squeeze %dma_wait3A_28 : memref<1x1x2x80xi32, #tpu.memory_space<hbm>> -> memref<2x80xi32, #tpu.memory_space<hbm>>
      %dma_wait3A_30 = arith.constant 0 : i32
      %dma_wait3A_31 = arith.constant 0 : i32
      %dma_wait3A_32 = tpu.memref_slice %arg3[%add3A, %run_scoped3A, %dma_wait3A_30, %dma_wait3A_31] : memref<32x125x2x80xi32, #tpu.memory_space<hbm>> -> memref<1x1x2x80xi32, #tpu.memory_space<hbm>>
      %dma_wait3A_33 = tpu.memref_squeeze %dma_wait3A_32 : memref<1x1x2x80xi32, #tpu.memory_space<hbm>> -> memref<2x80xi32, #tpu.memory_space<hbm>>
      tpu.wait_dma2 semaphore(%run_scoped3A_19 : memref<!tpu.dma_semaphore, #tpu.memory_space<semaphore_mem>>) src(%dma_wait3A_33 : memref<2x80xi32, #tpu.memory_space<hbm>>) dst(%arg6 : memref<2x80xi32, #tpu.memory_space<vmem>>)
      tpu.yield
    }) : () -> ()
    %barrier3A = arith.constant 0 : index
    tpu.barrier barrier_id(%barrier3A)
    %scan3A = arith.constant 0 : i32
    %scan3A_3 = arith.constant 0 : i32
    %scan3A_4 = arith.constant 125 : i32
    %scan3A_5 = arith.addi %scan3A_3, %scan3A_4 : i32
    %scan3A_6 = arith.constant 1 : i32
    scf.for %scan3A_19 = %scan3A_3 to %scan3A_5 step %scan3A_6  : i32 {
      %dma_start3A = arith.constant 0 : i32
      %dma_start3A_20 = arith.constant 0 : i32
      %dma_start3A_21 = tpu.memref_slice %arg6[%dma_start3A, %dma_start3A_20] : memref<2x80xi32, #tpu.memory_space<vmem>> -> memref<1x80xi32, #tpu.memory_space<vmem>>
      %dma_start3A_22 = tpu.memref_squeeze %dma_start3A_21 : memref<1x80xi32, #tpu.memory_space<vmem>> -> memref<80xi32, #tpu.memory_space<vmem>>
      %dma_start3A_23 = arith.constant 0 : i32
      %dma_start3A_24 = arith.constant 0 : i32
      %dma_start3A_25 = tpu.memref_slice %arg11[%dma_start3A_23, %dma_start3A_24] : memref<10240x32xf32, #tpu.memory_space<vmem_shared>> -> memref<10240x32xf32, #tpu.memory_space<vmem_shared>>
      tpu.enqueue_indirect_dma source(%dma_start3A_25 : memref<10240x32xf32, #tpu.memory_space<vmem_shared>>) target(%arg8 : memref<80x32xf32, #tpu.memory_space<vmem>>) offsets(%dma_start3A_22 : memref<80xi32, #tpu.memory_space<vmem>>) semaphore(%arg14 : memref<!tpu.dma_semaphore, #tpu.memory_space<semaphore_mem>>)
      %dma_start3A_26 = arith.constant 1 : i32
      %dma_start3A_27 = arith.constant 0 : i32
      %dma_start3A_28 = tpu.memref_slice %arg6[%dma_start3A_26, %dma_start3A_27] : memref<2x80xi32, #tpu.memory_space<vmem>> -> memref<1x80xi32, #tpu.memory_space<vmem>>
      %dma_start3A_29 = tpu.memref_squeeze %dma_start3A_28 : memref<1x80xi32, #tpu.memory_space<vmem>> -> memref<80xi32, #tpu.memory_space<vmem>>
      %dma_start3A_30 = arith.constant 0 : i32
      %dma_start3A_31 = arith.constant 0 : i32
      %dma_start3A_32 = tpu.memref_slice %arg11[%dma_start3A_30, %dma_start3A_31] : memref<10240x32xf32, #tpu.memory_space<vmem_shared>> -> memref<10240x32xf32, #tpu.memory_space<vmem_shared>>
      tpu.enqueue_indirect_dma source(%arg9 : memref<80x32xf32, #tpu.memory_space<vmem>>) target(%dma_start3A_32 : memref<10240x32xf32, #tpu.memory_space<vmem_shared>>) offsets(%dma_start3A_29 : memref<80xi32, #tpu.memory_space<vmem>>) semaphore(%arg15 : memref<!tpu.dma_semaphore, #tpu.memory_space<semaphore_mem>>) {add = true}
      %dma_start3A_33 = arith.constant 0 : i32
      %dma_start3A_34 = arith.constant 0 : i32
      %dma_start3A_35 = tpu.memref_slice %arg6[%dma_start3A_33, %dma_start3A_34] : memref<2x80xi32, #tpu.memory_space<vmem>> -> memref<1x80xi32, #tpu.memory_space<vmem>>
      %dma_start3A_36 = tpu.memref_squeeze %dma_start3A_35 : memref<1x80xi32, #tpu.memory_space<vmem>> -> memref<80xi32, #tpu.memory_space<vmem>>
      %dma_start3A_37 = arith.constant 0 : i32
      %dma_start3A_38 = arith.constant 0 : i32
      %dma_start3A_39 = tpu.memref_slice %arg11[%dma_start3A_37, %dma_start3A_38] : memref<10240x32xf32, #tpu.memory_space<vmem_shared>> -> memref<10240x32xf32, #tpu.memory_space<vmem_shared>>
      tpu.enqueue_indirect_dma source(%dma_start3A_39 : memref<10240x32xf32, #tpu.memory_space<vmem_shared>>) target(%arg8 : memref<80x32xf32, #tpu.memory_space<vmem>>) offsets(%dma_start3A_36 : memref<80xi32, #tpu.memory_space<vmem>>) semaphore(%arg14 : memref<!tpu.dma_semaphore, #tpu.memory_space<semaphore_mem>>)
      %dma_start3A_40 = arith.constant 1 : i32
      %dma_start3A_41 = arith.constant 0 : i32
      %dma_start3A_42 = tpu.memref_slice %arg6[%dma_start3A_40, %dma_start3A_41] : memref<2x80xi32, #tpu.memory_space<vmem>> -> memref<1x80xi32, #tpu.memory_space<vmem>>
      %dma_start3A_43 = tpu.memref_squeeze %dma_start3A_42 : memref<1x80xi32, #tpu.memory_space<vmem>> -> memref<80xi32, #tpu.memory_space<vmem>>
      %dma_start3A_44 = arith.constant 0 : i32
      %dma_start3A_45 = arith.constant 0 : i32
      %dma_start3A_46 = tpu.memref_slice %arg11[%dma_start3A_44, %dma_start3A_45] : memref<10240x32xf32, #tpu.memory_space<vmem_shared>> -> memref<10240x32xf32, #tpu.memory_space<vmem_shared>>
      tpu.enqueue_indirect_dma source(%arg9 : memref<80x32xf32, #tpu.memory_space<vmem>>) target(%dma_start3A_46 : memref<10240x32xf32, #tpu.memory_space<vmem_shared>>) offsets(%dma_start3A_43 : memref<80xi32, #tpu.memory_space<vmem>>) semaphore(%arg15 : memref<!tpu.dma_semaphore, #tpu.memory_space<semaphore_mem>>) {add = true}
    }
    %scan3A_7 = arith.constant 125 : i32
    %scan3A_8 = arith.constant 0 : i32
    %scan3A_9 = arith.constant 0 : i32
    %scan3A_10 = arith.constant 125 : i32
    %scan3A_11 = arith.addi %scan3A_9, %scan3A_10 : i32
    %scan3A_12 = arith.constant 1 : i32
    scf.for %scan3A_19 = %scan3A_9 to %scan3A_11 step %scan3A_12  : i32 {
      %dma_wait3A = arith.constant 0 : i32
      %dma_wait3A_20 = arith.constant 0 : i32
      %dma_wait3A_21 = tpu.memref_slice %arg6[%dma_wait3A, %dma_wait3A_20] : memref<2x80xi32, #tpu.memory_space<vmem>> -> memref<1x80xi32, #tpu.memory_space<vmem>>
      %dma_wait3A_22 = tpu.memref_squeeze %dma_wait3A_21 : memref<1x80xi32, #tpu.memory_space<vmem>> -> memref<80xi32, #tpu.memory_space<vmem>>
      %dma_wait3A_23 = arith.constant 0 : i32
      %dma_wait3A_24 = arith.constant 0 : i32
      %dma_wait3A_25 = tpu.memref_slice %arg11[%dma_wait3A_23, %dma_wait3A_24] : memref<10240x32xf32, #tpu.memory_space<vmem_shared>> -> memref<10240x32xf32, #tpu.memory_space<vmem_shared>>
      tpu.wait_indirect_dma semaphore(%arg14 : memref<!tpu.dma_semaphore, #tpu.memory_space<semaphore_mem>>) src(%dma_wait3A_25 : memref<10240x32xf32, #tpu.memory_space<vmem_shared>>) dst(%arg8 : memref<80x32xf32, #tpu.memory_space<vmem>>)
      %dma_wait3A_26 = arith.constant 1 : i32
      %dma_wait3A_27 = arith.constant 0 : i32
      %dma_wait3A_28 = tpu.memref_slice %arg6[%dma_wait3A_26, %dma_wait3A_27] : memref<2x80xi32, #tpu.memory_space<vmem>> -> memref<1x80xi32, #tpu.memory_space<vmem>>
      %dma_wait3A_29 = tpu.memref_squeeze %dma_wait3A_28 : memref<1x80xi32, #tpu.memory_space<vmem>> -> memref<80xi32, #tpu.memory_space<vmem>>
      %dma_wait3A_30 = arith.constant 0 : i32
      %dma_wait3A_31 = arith.constant 0 : i32
      %dma_wait3A_32 = tpu.memref_slice %arg11[%dma_wait3A_30, %dma_wait3A_31] : memref<10240x32xf32, #tpu.memory_space<vmem_shared>> -> memref<10240x32xf32, #tpu.memory_space<vmem_shared>>
      tpu.wait_indirect_dma semaphore(%arg15 : memref<!tpu.dma_semaphore, #tpu.memory_space<semaphore_mem>>) src(%arg9 : memref<80x32xf32, #tpu.memory_space<vmem>>) dst(%dma_wait3A_32 : memref<10240x32xf32, #tpu.memory_space<vmem_shared>>)
      %dma_wait3A_33 = arith.constant 0 : i32
      %dma_wait3A_34 = arith.constant 0 : i32
      %dma_wait3A_35 = tpu.memref_slice %arg6[%dma_wait3A_33, %dma_wait3A_34] : memref<2x80xi32, #tpu.memory_space<vmem>> -> memref<1x80xi32, #tpu.memory_space<vmem>>
      %dma_wait3A_36 = tpu.memref_squeeze %dma_wait3A_35 : memref<1x80xi32, #tpu.memory_space<vmem>> -> memref<80xi32, #tpu.memory_space<vmem>>
      %dma_wait3A_37 = arith.constant 0 : i32
      %dma_wait3A_38 = arith.constant 0 : i32
      %dma_wait3A_39 = tpu.memref_slice %arg11[%dma_wait3A_37, %dma_wait3A_38] : memref<10240x32xf32, #tpu.memory_space<vmem_shared>> -> memref<10240x32xf32, #tpu.memory_space<vmem_shared>>
      tpu.wait_indirect_dma semaphore(%arg14 : memref<!tpu.dma_semaphore, #tpu.memory_space<semaphore_mem>>) src(%dma_wait3A_39 : memref<10240x32xf32, #tpu.memory_space<vmem_shared>>) dst(%arg8 : memref<80x32xf32, #tpu.memory_space<vmem>>)
      %dma_wait3A_40 = arith.constant 1 : i32
      %dma_wait3A_41 = arith.constant 0 : i32
      %dma_wait3A_42 = tpu.memref_slice %arg6[%dma_wait3A_40, %dma_wait3A_41] : memref<2x80xi32, #tpu.memory_space<vmem>> -> memref<1x80xi32, #tpu.memory_space<vmem>>
      %dma_wait3A_43 = tpu.memref_squeeze %dma_wait3A_42 : memref<1x80xi32, #tpu.memory_space<vmem>> -> memref<80xi32, #tpu.memory_space<vmem>>
      %dma_wait3A_44 = arith.constant 0 : i32
      %dma_wait3A_45 = arith.constant 0 : i32
      %dma_wait3A_46 = tpu.memref_slice %arg11[%dma_wait3A_44, %dma_wait3A_45] : memref<10240x32xf32, #tpu.memory_space<vmem_shared>> -> memref<10240x32xf32, #tpu.memory_space<vmem_shared>>
      tpu.wait_indirect_dma semaphore(%arg15 : memref<!tpu.dma_semaphore, #tpu.memory_space<semaphore_mem>>) src(%arg9 : memref<80x32xf32, #tpu.memory_space<vmem>>) dst(%dma_wait3A_46 : memref<10240x32xf32, #tpu.memory_space<vmem_shared>>)
    }
    %scan3A_13 = arith.constant 125 : i32
    %barrier3A_14 = arith.constant 0 : index
    tpu.barrier barrier_id(%barrier3A_14)
    %mul3A_15 = arith.constant 640 : i32
    %mul3A_16 = arith.muli %arg1, %mul3A_15 : i32
    %mul3A_17 = arith.constant 640 : i32
    %mul3A_18 = arith.muli %arg1, %mul3A_17 : i32
    "tpu.region"() ({
      %run_scoped3A_19 = tpu.sem_alloc : memref<!tpu.dma_semaphore, #tpu.memory_space<semaphore_mem>>
      %dma_start3A = arith.constant 0 : i32
      %dma_start3A_20 = tpu.memref_slice %arg5[%arg0, %mul3A_18, %dma_start3A] : memref<2x10240x128xf32, #tpu.memory_space<hbm>> -> memref<1x640x128xf32, #tpu.memory_space<hbm>>
      %dma_start3A_21 = tpu.memref_squeeze %dma_start3A_20 : memref<1x640x128xf32, #tpu.memory_space<hbm>> -> memref<640x128xf32, #tpu.memory_space<hbm>>
      %dma_start3A_22 = arith.constant 0 : i32
      %dma_start3A_23 = tpu.memref_slice %arg10[%mul3A_16, %dma_start3A_22] : memref<10240x128xf32, #tpu.memory_space<vmem_shared>> -> memref<640x128xf32, #tpu.memory_space<vmem_shared>>
      tpu.enqueue_dma source(%dma_start3A_23 : memref<640x128xf32, #tpu.memory_space<vmem_shared>>) target(%dma_start3A_21 : memref<640x128xf32, #tpu.memory_space<hbm>>) target_semaphore(%run_scoped3A_19 : memref<!tpu.dma_semaphore, #tpu.memory_space<semaphore_mem>>)
      %dma_wait3A = arith.constant 0 : i32
      %dma_wait3A_24 = tpu.memref_slice %arg5[%arg0, %mul3A_18, %dma_wait3A] : memref<2x10240x128xf32, #tpu.memory_space<hbm>> -> memref<1x640x128xf32, #tpu.memory_space<hbm>>
      %dma_wait3A_25 = tpu.memref_squeeze %dma_wait3A_24 : memref<1x640x128xf32, #tpu.memory_space<hbm>> -> memref<640x128xf32, #tpu.memory_space<hbm>>
      %dma_wait3A_26 = arith.constant 0 : i32
      %dma_wait3A_27 = tpu.memref_slice %arg10[%mul3A_16, %dma_wait3A_26] : memref<10240x128xf32, #tpu.memory_space<vmem_shared>> -> memref<640x128xf32, #tpu.memory_space<vmem_shared>>
      tpu.wait_dma2 semaphore(%run_scoped3A_19 : memref<!tpu.dma_semaphore, #tpu.memory_space<semaphore_mem>>) src(%dma_wait3A_27 : memref<640x128xf32, #tpu.memory_space<vmem_shared>>) dst(%dma_wait3A_25 : memref<640x128xf32, #tpu.memory_space<hbm>>)
      tpu.yield
    }) : () -> ()
    return
  }
}

#map = affine_map<(d0, d1) -> (0, 0)>
#map1 = affine_map<(d0, d1) -> (0, 0, 0, 0)>
#map2 = affine_map<(d0, d1) -> (0, 0, 0)>
module attributes {stable_mosaic.version = 14 : i64} {
  func.func @scat_k(%arg0: i32, %arg1: i32, %arg2: memref<10000x128xf32, #tpu.memory_space<hbm>>, %arg3: memref<32x125x2x80xi32, #tpu.memory_space<hbm>>, %arg4: memref<640x128xf32, #tpu.memory_space<hbm>>, %arg5: memref<2x10240x128xf32, #tpu.memory_space<hbm>>, %arg6: memref<2x80xi32, #tpu.memory_space<vmem>>, %arg7: memref<2x80xi32, #tpu.memory_space<vmem>>, %arg8: memref<80x32xf32, #tpu.memory_space<vmem>>, %arg9: memref<80x32xf32, #tpu.memory_space<vmem>>, %arg10: memref<10240x128xf32, #tpu.memory_space<vmem_shared>>, %arg11: memref<10240x32xf32, #tpu.memory_space<vmem_shared>>, %arg12: memref<!tpu.dma_semaphore, #tpu.memory_space<semaphore_mem>>, %arg13: memref<!tpu.dma_semaphore, #tpu.memory_space<semaphore_mem>>, %arg14: memref<!tpu.dma_semaphore, #tpu.memory_space<semaphore_mem>>, %arg15: memref<!tpu.dma_semaphore, #tpu.memory_space<semaphore_mem>>) attributes {dimension_semantics = [#tpu.dimension_semantics<core_parallel>, #tpu.dimension_semantics<subcore_parallel>], iteration_bounds = array<i64: 2, 16>, scalar_prefetch = 0 : i64, scratch_operands = 10 : i64, tpu.core_type = #tpu.core_type<sc_vector_subcore>, window_params = [{transform_indices = #map}, {transform_indices = #map1}, {transform_indices = #map}, {transform_indices = #map2}]} {
    %mul3A = arith.constant 16 : i32
    %mul3A_0 = arith.muli %arg0, %mul3A : i32
    %add3A = arith.addi %mul3A_0, %arg1 : i32
    %mul3A_1 = arith.constant 640 : i32
    %mul3A_2 = arith.muli %arg1, %mul3A_1 : i32
    "tpu.region"() ({
      %run_scoped3A_19 = tpu.sem_alloc : memref<!tpu.dma_semaphore, #tpu.memory_space<semaphore_mem>>
      %dma_start3A = arith.constant 0 : i32
      %dma_start3A_20 = tpu.memref_slice %arg10[%mul3A_2, %dma_start3A] : memref<10240x128xf32, #tpu.memory_space<vmem_shared>> -> memref<640x128xf32, #tpu.memory_space<vmem_shared>>
      tpu.enqueue_dma source(%arg4 : memref<640x128xf32, #tpu.memory_space<hbm>>) target(%dma_start3A_20 : memref<640x128xf32, #tpu.memory_space<vmem_shared>>) target_semaphore(%run_scoped3A_19 : memref<!tpu.dma_semaphore, #tpu.memory_space<semaphore_mem>>)
      %dma_wait3A = arith.constant 0 : i32
      %dma_wait3A_21 = tpu.memref_slice %arg10[%mul3A_2, %dma_wait3A] : memref<10240x128xf32, #tpu.memory_space<vmem_shared>> -> memref<640x128xf32, #tpu.memory_space<vmem_shared>>
      tpu.wait_dma2 semaphore(%run_scoped3A_19 : memref<!tpu.dma_semaphore, #tpu.memory_space<semaphore_mem>>) src(%arg4 : memref<640x128xf32, #tpu.memory_space<hbm>>) dst(%dma_wait3A_21 : memref<640x128xf32, #tpu.memory_space<vmem_shared>>)
      tpu.yield
    }) : () -> ()
    %run_scoped3A = arith.constant 0 : i32
    "tpu.region"() ({
      %run_scoped3A_19 = tpu.sem_alloc : memref<!tpu.dma_semaphore, #tpu.memory_space<semaphore_mem>>
      %dma_start3A = arith.constant 0 : i32
      %dma_start3A_20 = arith.constant 0 : i32
      %dma_start3A_21 = tpu.memref_slice %arg3[%add3A, %run_scoped3A, %dma_start3A, %dma_start3A_20] : memref<32x125x2x80xi32, #tpu.memory_space<hbm>> -> memref<1x1x2x80xi32, #tpu.memory_space<hbm>>
      %dma_start3A_22 = tpu.memref_squeeze %dma_start3A_21 : memref<1x1x2x80xi32, #tpu.memory_space<hbm>> -> memref<2x80xi32, #tpu.memory_space<hbm>>
      %dma_start3A_23 = arith.constant 0 : i32
      %dma_start3A_24 = arith.constant 0 : i32
      %dma_start3A_25 = tpu.memref_slice %arg3[%add3A, %run_scoped3A, %dma_start3A_23, %dma_start3A_24] : memref<32x125x2x80xi32, #tpu.memory_space<hbm>> -> memref<1x1x2x80xi32, #tpu.memory_space<hbm>>
      %dma_start3A_26 = tpu.memref_squeeze %dma_start3A_25 : memref<1x1x2x80xi32, #tpu.memory_space<hbm>> -> memref<2x80xi32, #tpu.memory_space<hbm>>
      tpu.enqueue_dma source(%dma_start3A_26 : memref<2x80xi32, #tpu.memory_space<hbm>>) target(%arg6 : memref<2x80xi32, #tpu.memory_space<vmem>>) target_semaphore(%run_scoped3A_19 : memref<!tpu.dma_semaphore, #tpu.memory_space<semaphore_mem>>)
      %dma_wait3A = arith.constant 0 : i32
      %dma_wait3A_27 = arith.constant 0 : i32
      %dma_wait3A_28 = tpu.memref_slice %arg3[%add3A, %run_scoped3A, %dma_wait3A, %dma_wait3A_27] : memref<32x125x2x80xi32, #tpu.memory_space<hbm>> -> memref<1x1x2x80xi32, #tpu.memory_space<hbm>>
      %dma_wait3A_29 = tpu.memref_squeeze %dma_wait3A_28 : memref<1x1x2x80xi32, #tpu.memory_space<hbm>> -> memref<2x80xi32, #tpu.memory_space<hbm>>
      %dma_wait3A_30 = arith.constant 0 : i32
      %dma_wait3A_31 = arith.constant 0 : i32
      %dma_wait3A_32 = tpu.memref_slice %arg3[%add3A, %run_scoped3A, %dma_wait3A_30, %dma_wait3A_31] : memref<32x125x2x80xi32, #tpu.memory_space<hbm>> -> memref<1x1x2x80xi32, #tpu.memory_space<hbm>>
      %dma_wait3A_33 = tpu.memref_squeeze %dma_wait3A_32 : memref<1x1x2x80xi32, #tpu.memory_space<hbm>> -> memref<2x80xi32, #tpu.memory_space<hbm>>
      tpu.wait_dma2 semaphore(%run_scoped3A_19 : memref<!tpu.dma_semaphore, #tpu.memory_space<semaphore_mem>>) src(%dma_wait3A_33 : memref<2x80xi32, #tpu.memory_space<hbm>>) dst(%arg6 : memref<2x80xi32, #tpu.memory_space<vmem>>)
      tpu.yield
    }) : () -> ()
    %barrier3A = arith.constant 0 : index
    tpu.barrier barrier_id(%barrier3A)
    %scan3A = arith.constant 0 : i32
    %scan3A_3 = arith.constant 0 : i32
    %scan3A_4 = arith.constant 125 : i32
    %scan3A_5 = arith.addi %scan3A_3, %scan3A_4 : i32
    %scan3A_6 = arith.constant 1 : i32
    scf.for %scan3A_19 = %scan3A_3 to %scan3A_5 step %scan3A_6  : i32 {
      %dma_start3A = arith.constant 0 : i32
      %dma_start3A_20 = arith.constant 0 : i32
      %dma_start3A_21 = tpu.memref_slice %arg6[%dma_start3A, %dma_start3A_20] : memref<2x80xi32, #tpu.memory_space<vmem>> -> memref<1x80xi32, #tpu.memory_space<vmem>>
      %dma_start3A_22 = tpu.memref_squeeze %dma_start3A_21 : memref<1x80xi32, #tpu.memory_space<vmem>> -> memref<80xi32, #tpu.memory_space<vmem>>
      %dma_start3A_23 = arith.constant 0 : i32
      %dma_start3A_24 = arith.constant 0 : i32
      %dma_start3A_25 = tpu.memref_slice %arg11[%dma_start3A_23, %dma_start3A_24] : memref<10240x32xf32, #tpu.memory_space<vmem_shared>> -> memref<10240x32xf32, #tpu.memory_space<vmem_shared>>
      tpu.enqueue_indirect_dma source(%dma_start3A_25 : memref<10240x32xf32, #tpu.memory_space<vmem_shared>>) target(%arg8 : memref<80x32xf32, #tpu.memory_space<vmem>>) offsets(%dma_start3A_22 : memref<80xi32, #tpu.memory_space<vmem>>) semaphore(%arg14 : memref<!tpu.dma_semaphore, #tpu.memory_space<semaphore_mem>>)
      %dma_start3A_26 = arith.constant 1 : i32
      %dma_start3A_27 = arith.constant 0 : i32
      %dma_start3A_28 = tpu.memref_slice %arg6[%dma_start3A_26, %dma_start3A_27] : memref<2x80xi32, #tpu.memory_space<vmem>> -> memref<1x80xi32, #tpu.memory_space<vmem>>
      %dma_start3A_29 = tpu.memref_squeeze %dma_start3A_28 : memref<1x80xi32, #tpu.memory_space<vmem>> -> memref<80xi32, #tpu.memory_space<vmem>>
      %dma_start3A_30 = arith.constant 0 : i32
      %dma_start3A_31 = arith.constant 0 : i32
      %dma_start3A_32 = tpu.memref_slice %arg11[%dma_start3A_30, %dma_start3A_31] : memref<10240x32xf32, #tpu.memory_space<vmem_shared>> -> memref<10240x32xf32, #tpu.memory_space<vmem_shared>>
      tpu.enqueue_indirect_dma source(%arg9 : memref<80x32xf32, #tpu.memory_space<vmem>>) target(%dma_start3A_32 : memref<10240x32xf32, #tpu.memory_space<vmem_shared>>) offsets(%dma_start3A_29 : memref<80xi32, #tpu.memory_space<vmem>>) semaphore(%arg15 : memref<!tpu.dma_semaphore, #tpu.memory_space<semaphore_mem>>) {add = true}
      %dma_start3A_33 = arith.constant 0 : i32
      %dma_start3A_34 = arith.constant 0 : i32
      %dma_start3A_35 = tpu.memref_slice %arg6[%dma_start3A_33, %dma_start3A_34] : memref<2x80xi32, #tpu.memory_space<vmem>> -> memref<1x80xi32, #tpu.memory_space<vmem>>
      %dma_start3A_36 = tpu.memref_squeeze %dma_start3A_35 : memref<1x80xi32, #tpu.memory_space<vmem>> -> memref<80xi32, #tpu.memory_space<vmem>>
      %dma_start3A_37 = arith.constant 0 : i32
      %dma_start3A_38 = arith.constant 0 : i32
      %dma_start3A_39 = tpu.memref_slice %arg11[%dma_start3A_37, %dma_start3A_38] : memref<10240x32xf32, #tpu.memory_space<vmem_shared>> -> memref<10240x32xf32, #tpu.memory_space<vmem_shared>>
      tpu.enqueue_indirect_dma source(%dma_start3A_39 : memref<10240x32xf32, #tpu.memory_space<vmem_shared>>) target(%arg8 : memref<80x32xf32, #tpu.memory_space<vmem>>) offsets(%dma_start3A_36 : memref<80xi32, #tpu.memory_space<vmem>>) semaphore(%arg14 : memref<!tpu.dma_semaphore, #tpu.memory_space<semaphore_mem>>)
      %dma_start3A_40 = arith.constant 1 : i32
      %dma_start3A_41 = arith.constant 0 : i32
      %dma_start3A_42 = tpu.memref_slice %arg6[%dma_start3A_40, %dma_start3A_41] : memref<2x80xi32, #tpu.memory_space<vmem>> -> memref<1x80xi32, #tpu.memory_space<vmem>>
      %dma_start3A_43 = tpu.memref_squeeze %dma_start3A_42 : memref<1x80xi32, #tpu.memory_space<vmem>> -> memref<80xi32, #tpu.memory_space<vmem>>
      %dma_start3A_44 = arith.constant 0 : i32
      %dma_start3A_45 = arith.constant 0 : i32
      %dma_start3A_46 = tpu.memref_slice %arg11[%dma_start3A_44, %dma_start3A_45] : memref<10240x32xf32, #tpu.memory_space<vmem_shared>> -> memref<10240x32xf32, #tpu.memory_space<vmem_shared>>
      tpu.enqueue_indirect_dma source(%arg9 : memref<80x32xf32, #tpu.memory_space<vmem>>) target(%dma_start3A_46 : memref<10240x32xf32, #tpu.memory_space<vmem_shared>>) offsets(%dma_start3A_43 : memref<80xi32, #tpu.memory_space<vmem>>) semaphore(%arg15 : memref<!tpu.dma_semaphore, #tpu.memory_space<semaphore_mem>>) {add = true}
    }
    %scan3A_7 = arith.constant 125 : i32
    %scan3A_8 = arith.constant 0 : i32
    %scan3A_9 = arith.constant 0 : i32
    %scan3A_10 = arith.constant 125 : i32
    %scan3A_11 = arith.addi %scan3A_9, %scan3A_10 : i32
    %scan3A_12 = arith.constant 1 : i32
    scf.for %scan3A_19 = %scan3A_9 to %scan3A_11 step %scan3A_12  : i32 {
      %dma_wait3A = arith.constant 0 : i32
      %dma_wait3A_20 = arith.constant 0 : i32
      %dma_wait3A_21 = tpu.memref_slice %arg6[%dma_wait3A, %dma_wait3A_20] : memref<2x80xi32, #tpu.memory_space<vmem>> -> memref<1x80xi32, #tpu.memory_space<vmem>>
      %dma_wait3A_22 = tpu.memref_squeeze %dma_wait3A_21 : memref<1x80xi32, #tpu.memory_space<vmem>> -> memref<80xi32, #tpu.memory_space<vmem>>
      %dma_wait3A_23 = arith.constant 0 : i32
      %dma_wait3A_24 = arith.constant 0 : i32
      %dma_wait3A_25 = tpu.memref_slice %arg11[%dma_wait3A_23, %dma_wait3A_24] : memref<10240x32xf32, #tpu.memory_space<vmem_shared>> -> memref<10240x32xf32, #tpu.memory_space<vmem_shared>>
      tpu.wait_indirect_dma semaphore(%arg14 : memref<!tpu.dma_semaphore, #tpu.memory_space<semaphore_mem>>) src(%dma_wait3A_25 : memref<10240x32xf32, #tpu.memory_space<vmem_shared>>) dst(%arg8 : memref<80x32xf32, #tpu.memory_space<vmem>>)
      %dma_wait3A_26 = arith.constant 1 : i32
      %dma_wait3A_27 = arith.constant 0 : i32
      %dma_wait3A_28 = tpu.memref_slice %arg6[%dma_wait3A_26, %dma_wait3A_27] : memref<2x80xi32, #tpu.memory_space<vmem>> -> memref<1x80xi32, #tpu.memory_space<vmem>>
      %dma_wait3A_29 = tpu.memref_squeeze %dma_wait3A_28 : memref<1x80xi32, #tpu.memory_space<vmem>> -> memref<80xi32, #tpu.memory_space<vmem>>
      %dma_wait3A_30 = arith.constant 0 : i32
      %dma_wait3A_31 = arith.constant 0 : i32
      %dma_wait3A_32 = tpu.memref_slice %arg11[%dma_wait3A_30, %dma_wait3A_31] : memref<10240x32xf32, #tpu.memory_space<vmem_shared>> -> memref<10240x32xf32, #tpu.memory_space<vmem_shared>>
      tpu.wait_indirect_dma semaphore(%arg15 : memref<!tpu.dma_semaphore, #tpu.memory_space<semaphore_mem>>) src(%arg9 : memref<80x32xf32, #tpu.memory_space<vmem>>) dst(%dma_wait3A_32 : memref<10240x32xf32, #tpu.memory_space<vmem_shared>>)
      %dma_wait3A_33 = arith.constant 0 : i32
      %dma_wait3A_34 = arith.constant 0 : i32
      %dma_wait3A_35 = tpu.memref_slice %arg6[%dma_wait3A_33, %dma_wait3A_34] : memref<2x80xi32, #tpu.memory_space<vmem>> -> memref<1x80xi32, #tpu.memory_space<vmem>>
      %dma_wait3A_36 = tpu.memref_squeeze %dma_wait3A_35 : memref<1x80xi32, #tpu.memory_space<vmem>> -> memref<80xi32, #tpu.memory_space<vmem>>
      %dma_wait3A_37 = arith.constant 0 : i32
      %dma_wait3A_38 = arith.constant 0 : i32
      %dma_wait3A_39 = tpu.memref_slice %arg11[%dma_wait3A_37, %dma_wait3A_38] : memref<10240x32xf32, #tpu.memory_space<vmem_shared>> -> memref<10240x32xf32, #tpu.memory_space<vmem_shared>>
      tpu.wait_indirect_dma semaphore(%arg14 : memref<!tpu.dma_semaphore, #tpu.memory_space<semaphore_mem>>) src(%dma_wait3A_39 : memref<10240x32xf32, #tpu.memory_space<vmem_shared>>) dst(%arg8 : memref<80x32xf32, #tpu.memory_space<vmem>>)
      %dma_wait3A_40 = arith.constant 1 : i32
      %dma_wait3A_41 = arith.constant 0 : i32
      %dma_wait3A_42 = tpu.memref_slice %arg6[%dma_wait3A_40, %dma_wait3A_41] : memref<2x80xi32, #tpu.memory_space<vmem>> -> memref<1x80xi32, #tpu.memory_space<vmem>>
      %dma_wait3A_43 = tpu.memref_squeeze %dma_wait3A_42 : memref<1x80xi32, #tpu.memory_space<vmem>> -> memref<80xi32, #tpu.memory_space<vmem>>
      %dma_wait3A_44 = arith.constant 0 : i32
      %dma_wait3A_45 = arith.constant 0 : i32
      %dma_wait3A_46 = tpu.memref_slice %arg11[%dma_wait3A_44, %dma_wait3A_45] : memref<10240x32xf32, #tpu.memory_space<vmem_shared>> -> memref<10240x32xf32, #tpu.memory_space<vmem_shared>>
      tpu.wait_indirect_dma semaphore(%arg15 : memref<!tpu.dma_semaphore, #tpu.memory_space<semaphore_mem>>) src(%arg9 : memref<80x32xf32, #tpu.memory_space<vmem>>) dst(%dma_wait3A_46 : memref<10240x32xf32, #tpu.memory_space<vmem_shared>>)
    }
    %scan3A_13 = arith.constant 125 : i32
    %barrier3A_14 = arith.constant 0 : index
    tpu.barrier barrier_id(%barrier3A_14)
    %mul3A_15 = arith.constant 640 : i32
    %mul3A_16 = arith.muli %arg1, %mul3A_15 : i32
    %mul3A_17 = arith.constant 640 : i32
    %mul3A_18 = arith.muli %arg1, %mul3A_17 : i32
    "tpu.region"() ({
      %run_scoped3A_19 = tpu.sem_alloc : memref<!tpu.dma_semaphore, #tpu.memory_space<semaphore_mem>>
      %dma_start3A = arith.constant 0 : i32
      %dma_start3A_20 = tpu.memref_slice %arg5[%arg0, %mul3A_18, %dma_start3A] : memref<2x10240x128xf32, #tpu.memory_space<hbm>> -> memref<1x640x128xf32, #tpu.memory_space<hbm>>
      %dma_start3A_21 = tpu.memref_squeeze %dma_start3A_20 : memref<1x640x128xf32, #tpu.memory_space<hbm>> -> memref<640x128xf32, #tpu.memory_space<hbm>>
      %dma_start3A_22 = arith.constant 0 : i32
      %dma_start3A_23 = tpu.memref_slice %arg10[%mul3A_16, %dma_start3A_22] : memref<10240x128xf32, #tpu.memory_space<vmem_shared>> -> memref<640x128xf32, #tpu.memory_space<vmem_shared>>
      tpu.enqueue_dma source(%dma_start3A_23 : memref<640x128xf32, #tpu.memory_space<vmem_shared>>) target(%dma_start3A_21 : memref<640x128xf32, #tpu.memory_space<hbm>>) target_semaphore(%run_scoped3A_19 : memref<!tpu.dma_semaphore, #tpu.memory_space<semaphore_mem>>)
      %dma_wait3A = arith.constant 0 : i32
      %dma_wait3A_24 = tpu.memref_slice %arg5[%arg0, %mul3A_18, %dma_wait3A] : memref<2x10240x128xf32, #tpu.memory_space<hbm>> -> memref<1x640x128xf32, #tpu.memory_space<hbm>>
      %dma_wait3A_25 = tpu.memref_squeeze %dma_wait3A_24 : memref<1x640x128xf32, #tpu.memory_space<hbm>> -> memref<640x128xf32, #tpu.memory_space<hbm>>
      %dma_wait3A_26 = arith.constant 0 : i32
      %dma_wait3A_27 = tpu.memref_slice %arg10[%mul3A_16, %dma_wait3A_26] : memref<10240x128xf32, #tpu.memory_space<vmem_shared>> -> memref<640x128xf32, #tpu.memory_space<vmem_shared>>
      tpu.wait_dma2 semaphore(%run_scoped3A_19 : memref<!tpu.dma_semaphore, #tpu.memory_space<semaphore_mem>>) src(%dma_wait3A_27 : memref<640x128xf32, #tpu.memory_space<vmem_shared>>) dst(%dma_wait3A_25 : memref<640x128xf32, #tpu.memory_space<hbm>>)
      tpu.yield
    }) : () -> ()
    return
  }
}

module attributes {stable_mosaic.version = 14 : i64} {
  func.func @body(%arg0: i32, %arg1: memref<2000x128xf32, #tpu.memory_space<vmem>>, %arg2: memref<128x128xf32, #tpu.memory_space<vmem>>, %arg3: memref<1x128xf32, #tpu.memory_space<vmem>>, %arg4: memref<2000x2xf32, #tpu.memory_space<vmem>>, %arg5: memref<2000x128xf32, #tpu.memory_space<vmem>>, %arg6: memref<2000x1xf32, #tpu.memory_space<vmem>>) attributes {dimension_semantics = [#tpu.dimension_semantics<arbitrary>], iteration_bounds = array<i64: 5>, scalar_prefetch = 0 : i64, scratch_operands = 0 : i64, tpu.core_type = #tpu.core_type<tc>, window_params = [{transform_indices = @transform_0, window_bounds = array<i64: 2000, 128>}, {pipeline_mode = #tpu.pipeline_mode<synchronous>, transform_indices = @transform_1, window_bounds = array<i64: 128, 128>}, {pipeline_mode = #tpu.pipeline_mode<synchronous>, transform_indices = @transform_2, window_bounds = array<i64: 1, 128>}, {transform_indices = @transform_3, window_bounds = array<i64: 2000, 2>}, {transform_indices = @transform_4, window_bounds = array<i64: 2000, 128>}, {transform_indices = @transform_5, window_bounds = array<i64: 2000, 1>}]} {
    %get3A = arith.constant 0 : index
    %get3A_0 = arith.constant 0 : index
    %get3A_1 = vector.load %arg4[%get3A, %get3A_0] : memref<2000x2xf32, #tpu.memory_space<vmem>>, vector<2000x1xf32>
    %get3A_2 = arith.constant 0 : index
    %get3A_3 = arith.constant 1 : index
    %get3A_4 = vector.load %arg4[%get3A_2, %get3A_3] : memref<2000x2xf32, #tpu.memory_space<vmem>>, vector<2000x1xf32>
    %add3A = arith.addf %get3A_1, %get3A_4 : vector<2000x1xf32>
    %add3A_5 = arith.constant 1.000000e+00 : f32
    %add3A_6 = vector.broadcast %add3A_5 : f32 to vector<2000x1xf32>
    %add3A_7 = arith.addf %add3A, %add3A_6 : vector<2000x1xf32>
    %max3A = arith.constant 1.000000e+00 : f32
    %max3A_8 = vector.broadcast %max3A : f32 to vector<2000x1xf32>
    %max3A_9 = arith.maximumf %add3A_7, %max3A_8 : vector<2000x1xf32>
    %rsqrt3A = math.rsqrt %max3A_9 : vector<2000x1xf32>
    %get3A_10 = arith.constant 0 : index
    %get3A_11 = arith.constant 0 : index
    %get3A_12 = vector.load %arg1[%get3A_10, %get3A_11] : memref<2000x128xf32, #tpu.memory_space<vmem>>, vector<2000x128xf32>
    %get3A_13 = arith.constant 0 : index
    %get3A_14 = arith.constant 0 : index
    %get3A_15 = vector.load %arg2[%get3A_13, %get3A_14] : memref<128x128xf32, #tpu.memory_space<vmem>>, vector<128x128xf32>
    %dot_general3A = arith.constant dense<0.000000e+00> : vector<2000x128xf32>
    %dot_general3A_16 = tpu.matmul %get3A_12, %get3A_15, %dot_general3A {dimension_numbers = #tpu.dot_dimension_numbers<[1], [0], [0], [1], [0, 0, 1, 1], [], []>, transpose_lhs_hint = false} : vector<2000x128xf32>, vector<128x128xf32>, vector<2000x128xf32> -> vector<2000x128xf32>
    %get3A_17 = arith.constant 0 : index
    %get3A_18 = arith.constant 0 : index
    %get3A_19 = vector.load %arg3[%get3A_17, %get3A_18] : memref<1x128xf32, #tpu.memory_space<vmem>>, vector<1x128xf32>
    %add3A_20 = vector.broadcast %get3A_19 : vector<1x128xf32> to vector<2000x128xf32>
    %add3A_21 = arith.addf %dot_general3A_16, %add3A_20 : vector<2000x128xf32>
    %mul3A = vector.broadcast %rsqrt3A : vector<2000x1xf32> to vector<2000x128xf32>
    %mul3A_22 = arith.mulf %add3A_21, %mul3A : vector<2000x128xf32>
    %swap3A = arith.constant 0 : index
    %swap3A_23 = arith.constant 0 : index
    %swap3A_24 = vector.load %arg5[%swap3A, %swap3A_23] : memref<2000x128xf32, #tpu.memory_space<vmem>>, vector<2000x128xf32>
    tpu.vector_store %arg5[%swap3A, %swap3A_23], %mul3A_22 {strides = array<i32>} : memref<2000x128xf32, #tpu.memory_space<vmem>>, vector<2000x128xf32>,
    %swap3A_25 = arith.constant 0 : index
    %swap3A_26 = arith.constant 0 : index
    %swap3A_27 = vector.load %arg6[%swap3A_25, %swap3A_26] : memref<2000x1xf32, #tpu.memory_space<vmem>>, vector<2000x1xf32>
    tpu.vector_store %arg6[%swap3A_25, %swap3A_26], %rsqrt3A {strides = array<i32>} : memref<2000x1xf32, #tpu.memory_space<vmem>>, vector<2000x1xf32>,
    return
  }
  func.func @transform_0(%arg0: i32) -> (i32, i32) {
    %c0_i32 = arith.constant 0 : i32
    %c0_i32_0 = arith.constant 0 : i32
    return %arg0, %c0_i32 : i32, i32
  }
  func.func @transform_1(%arg0: i32) -> (i32, i32) {
    %c0_i32 = arith.constant 0 : i32
    %c0_i32_0 = arith.constant 0 : i32
    %c0_i32_1 = arith.constant 0 : i32
    return %c0_i32, %c0_i32_0 : i32, i32
  }
  func.func @transform_2(%arg0: i32) -> (i32, i32) {
    %c0_i32 = arith.constant 0 : i32
    %c0_i32_0 = arith.constant 0 : i32
    %c0_i32_1 = arith.constant 0 : i32
    return %c0_i32, %c0_i32_0 : i32, i32
  }
  func.func @transform_3(%arg0: i32) -> (i32, i32) {
    %c0_i32 = arith.constant 0 : i32
    %c0_i32_0 = arith.constant 0 : i32
    return %arg0, %c0_i32 : i32, i32
  }
  func.func @transform_4(%arg0: i32) -> (i32, i32) {
    %c0_i32 = arith.constant 0 : i32
    %c0_i32_0 = arith.constant 0 : i32
    return %arg0, %c0_i32 : i32, i32
  }
  func.func @transform_5(%arg0: i32) -> (i32, i32) {
    %c0_i32 = arith.constant 0 : i32
    %c0_i32_0 = arith.constant 0 : i32
    return %arg0, %c0_i32 : i32, i32
  }
}

module attributes {stable_mosaic.version = 14 : i64} {
  func.func @body(%arg0: i32, %arg1: memref<2x2000x128xf32, #tpu.memory_space<vmem>>, %arg2: memref<2000x128xf32, #tpu.memory_space<vmem>>, %arg3: memref<2000x1xf32, #tpu.memory_space<vmem>>, %arg4: memref<2000x128xf32, #tpu.memory_space<vmem>>, %arg5: memref<2x128xf32, #tpu.memory_space<vmem>>, %arg6: memref<2x128xf32, #tpu.memory_space<vmem>>) attributes {dimension_semantics = [#tpu.dimension_semantics<arbitrary>], iteration_bounds = array<i64: 5>, scalar_prefetch = 0 : i64, scratch_operands = 1 : i64, tpu.core_type = #tpu.core_type<tc>, window_params = [{transform_indices = @transform_0, window_bounds = array<i64: 2, 2000, 128>}, {transform_indices = @transform_1, window_bounds = array<i64: 2000, 128>}, {transform_indices = @transform_2, window_bounds = array<i64: 2000, 1>}, {transform_indices = @transform_3, window_bounds = array<i64: 2000, 128>}, {pipeline_mode = #tpu.pipeline_mode<synchronous>, transform_indices = @transform_4, window_bounds = array<i64: 2, 128>}]} {
    %get3A = arith.constant 0 : index
    %get3A_0 = arith.constant 0 : index
    %get3A_1 = arith.constant 0 : index
    %get3A_2 = vector.load %arg1[%get3A, %get3A_0, %get3A_1] : memref<2x2000x128xf32, #tpu.memory_space<vmem>>, vector<1x2000x128xf32>
    %get3A_3 = vector.shape_cast %get3A_2 : vector<1x2000x128xf32> to vector<2000x128xf32>
    %get3A_4 = arith.constant 1 : index
    %get3A_5 = arith.constant 0 : index
    %get3A_6 = arith.constant 0 : index
    %get3A_7 = vector.load %arg1[%get3A_4, %get3A_5, %get3A_6] : memref<2x2000x128xf32, #tpu.memory_space<vmem>>, vector<1x2000x128xf32>
    %get3A_8 = vector.shape_cast %get3A_7 : vector<1x2000x128xf32> to vector<2000x128xf32>
    %add3A = arith.addf %get3A_3, %get3A_8 : vector<2000x128xf32>
    %get3A_9 = arith.constant 0 : index
    %get3A_10 = arith.constant 0 : index
    %get3A_11 = vector.load %arg2[%get3A_9, %get3A_10] : memref<2000x128xf32, #tpu.memory_space<vmem>>, vector<2000x128xf32>
    %add3A_12 = arith.addf %add3A, %get3A_11 : vector<2000x128xf32>
    %get3A_13 = arith.constant 0 : index
    %get3A_14 = arith.constant 0 : index
    %get3A_15 = vector.load %arg3[%get3A_13, %get3A_14] : memref<2000x1xf32, #tpu.memory_space<vmem>>, vector<2000x1xf32>
    %mul3A = vector.broadcast %get3A_15 : vector<2000x1xf32> to vector<2000x128xf32>
    %mul3A_16 = arith.mulf %add3A_12, %mul3A : vector<2000x128xf32>
    %swap3A = arith.constant 0 : index
    %swap3A_17 = arith.constant 0 : index
    %swap3A_18 = vector.load %arg4[%swap3A, %swap3A_17] : memref<2000x128xf32, #tpu.memory_space<vmem>>, vector<2000x128xf32>
    tpu.vector_store %arg4[%swap3A, %swap3A_17], %mul3A_16 {strides = array<i32>} : memref<2000x128xf32, #tpu.memory_space<vmem>>, vector<2000x128xf32>,
    %reduce_sum3A = arith.constant dense<0.000000e+00> : vector<128xf32>
    %reduce_sum3A_19 = vector.multi_reduction <add>, %mul3A_16, %reduce_sum3A [0] : vector<2000x128xf32> to vector<128xf32>
    %broadcast_in_dim3A = vector.shape_cast %reduce_sum3A_19 : vector<128xf32> to vector<1x128xf32>
    %mul3A_20 = arith.mulf %mul3A_16, %mul3A_16 : vector<2000x128xf32>
    %reduce_sum3A_21 = arith.constant dense<0.000000e+00> : vector<128xf32>
    %reduce_sum3A_22 = vector.multi_reduction <add>, %mul3A_20, %reduce_sum3A_21 [0] : vector<2000x128xf32> to vector<128xf32>
    %broadcast_in_dim3A_23 = vector.shape_cast %reduce_sum3A_22 : vector<128xf32> to vector<1x128xf32>
    %concatenate3A = tpu.concatenate %broadcast_in_dim3A, %broadcast_in_dim3A_23 in 0 : vector<1x128xf32>, vector<1x128xf32> -> vector<2x128xf32>
    %eq3A = arith.constant 0 : i32
    %eq3A_24 = arith.cmpi eq, %arg0, %eq3A : i32
    %convert_element_type3A = arith.extui %eq3A_24 : i1 to i32
    %cond3A = arith.constant 0 : i32
    %cond3A_25 = arith.cmpi ne, %convert_element_type3A, %cond3A : i32
    scf.if %cond3A_25 {
      %broadcast_in_dim3A_38 = arith.constant 0.000000e+00 : f32
      %broadcast_in_dim3A_39 = vector.broadcast %broadcast_in_dim3A_38 : f32 to vector<2x128xf32>
      %swap3A_40 = arith.constant 0 : index
      %swap3A_41 = arith.constant 0 : index
      %swap3A_42 = vector.load %arg6[%swap3A_40, %swap3A_41] : memref<2x128xf32, #tpu.memory_space<vmem>>, vector<2x128xf32>
      tpu.vector_store %arg6[%swap3A_40, %swap3A_41], %broadcast_in_dim3A_39 {strides = array<i32>} : memref<2x128xf32, #tpu.memory_space<vmem>>, vector<2x128xf32>,
    } else {
    }
    %get3A_26 = arith.constant 0 : index
    %get3A_27 = arith.constant 0 : index
    %get3A_28 = vector.load %arg6[%get3A_26, %get3A_27] : memref<2x128xf32, #tpu.memory_space<vmem>>, vector<2x128xf32>
    %add3A_29 = arith.addf %get3A_28, %concatenate3A : vector<2x128xf32>
    %swap3A_30 = arith.constant 0 : index
    %swap3A_31 = arith.constant 0 : index
    %swap3A_32 = vector.load %arg6[%swap3A_30, %swap3A_31] : memref<2x128xf32, #tpu.memory_space<vmem>>, vector<2x128xf32>
    tpu.vector_store %arg6[%swap3A_30, %swap3A_31], %add3A_29 {strides = array<i32>} : memref<2x128xf32, #tpu.memory_space<vmem>>, vector<2x128xf32>,
    %eq3A_33 = arith.constant 4 : i32
    %eq3A_34 = arith.cmpi eq, %arg0, %eq3A_33 : i32
    %convert_element_type3A_35 = arith.extui %eq3A_34 : i1 to i32
    %cond3A_36 = arith.constant 0 : i32
    %cond3A_37 = arith.cmpi ne, %convert_element_type3A_35, %cond3A_36 : i32
    scf.if %cond3A_37 {
      %get3A_38 = arith.constant 0 : index
      %get3A_39 = arith.constant 0 : index
      %get3A_40 = vector.load %arg6[%get3A_38, %get3A_39] : memref<2x128xf32, #tpu.memory_space<vmem>>, vector<2x128xf32>
      %swap3A_41 = arith.constant 0 : index
      %swap3A_42 = arith.constant 0 : index
      %swap3A_43 = vector.load %arg5[%swap3A_41, %swap3A_42] : memref<2x128xf32, #tpu.memory_space<vmem>>, vector<2x128xf32>
      tpu.vector_store %arg5[%swap3A_41, %swap3A_42], %get3A_40 {strides = array<i32>} : memref<2x128xf32, #tpu.memory_space<vmem>>, vector<2x128xf32>,
    } else {
    }
    return
  }
  func.func @transform_0(%arg0: i32) -> (i32, i32, i32) {
    %c0_i32 = arith.constant 0 : i32
    %c0_i32_0 = arith.constant 0 : i32
    %c0_i32_1 = arith.constant 0 : i32
    return %c0_i32, %arg0, %c0_i32_0 : i32, i32, i32
  }
  func.func @transform_1(%arg0: i32) -> (i32, i32) {
    %c0_i32 = arith.constant 0 : i32
    %c0_i32_0 = arith.constant 0 : i32
    return %arg0, %c0_i32 : i32, i32
  }
  func.func @transform_2(%arg0: i32) -> (i32, i32) {
    %c0_i32 = arith.constant 0 : i32
    %c0_i32_0 = arith.constant 0 : i32
    return %arg0, %c0_i32 : i32, i32
  }
  func.func @transform_3(%arg0: i32) -> (i32, i32) {
    %c0_i32 = arith.constant 0 : i32
    %c0_i32_0 = arith.constant 0 : i32
    return %arg0, %c0_i32 : i32, i32
  }
  func.func @transform_4(%arg0: i32) -> (i32, i32) {
    %c0_i32 = arith.constant 0 : i32
    %c0_i32_0 = arith.constant 0 : i32
    %c0_i32_1 = arith.constant 0 : i32
    return %c0_i32, %c0_i32_0 : i32, i32
  }
}

module attributes {stable_mosaic.version = 14 : i64} {
  func.func @body(%arg0: i32, %arg1: memref<2000x128xf32, #tpu.memory_space<vmem>>, %arg2: memref<2x128xf32, #tpu.memory_space<vmem>>, %arg3: memref<1x128xf32, #tpu.memory_space<vmem>>, %arg4: memref<1x128xf32, #tpu.memory_space<vmem>>, %arg5: memref<1x1xf32, #tpu.memory_space<vmem>>, %arg6: memref<128x128xf32, #tpu.memory_space<vmem>>, %arg7: memref<1x128xf32, #tpu.memory_space<vmem>>, %arg8: memref<2000x1xf32, #tpu.memory_space<vmem>>, %arg9: memref<2000x128xf32, #tpu.memory_space<vmem>>) attributes {dimension_semantics = [#tpu.dimension_semantics<arbitrary>], iteration_bounds = array<i64: 5>, scalar_prefetch = 0 : i64, scratch_operands = 0 : i64, tpu.core_type = #tpu.core_type<tc>, window_params = [{transform_indices = @transform_0, window_bounds = array<i64: 2000, 128>}, {pipeline_mode = #tpu.pipeline_mode<synchronous>, transform_indices = @transform_1, window_bounds = array<i64: 2, 128>}, {pipeline_mode = #tpu.pipeline_mode<synchronous>, transform_indices = @transform_2, window_bounds = array<i64: 1, 128>}, {pipeline_mode = #tpu.pipeline_mode<synchronous>, transform_indices = @transform_3, window_bounds = array<i64: 1, 128>}, {pipeline_mode = #tpu.pipeline_mode<synchronous>, transform_indices = @transform_4, window_bounds = array<i64: 1, 1>}, {pipeline_mode = #tpu.pipeline_mode<synchronous>, transform_indices = @transform_5, window_bounds = array<i64: 128, 128>}, {pipeline_mode = #tpu.pipeline_mode<synchronous>, transform_indices = @transform_6, window_bounds = array<i64: 1, 128>}, {transform_indices = @transform_7, window_bounds = array<i64: 2000, 1>}, {transform_indices = @transform_8, window_bounds = array<i64: 2000, 128>}]} {
    %get3A = arith.constant 0 : index
    %get3A_0 = arith.constant 0 : index
    %get3A_1 = vector.load %arg2[%get3A, %get3A_0] : memref<2x128xf32, #tpu.memory_space<vmem>>, vector<1x128xf32>
    %mul3A = arith.constant 9.99999974E-5 : f32
    %mul3A_2 = vector.broadcast %mul3A : f32 to vector<1x128xf32>
    %mul3A_3 = arith.mulf %get3A_1, %mul3A_2 : vector<1x128xf32>
    %get3A_4 = arith.constant 1 : index
    %get3A_5 = arith.constant 0 : index
    %get3A_6 = vector.load %arg2[%get3A_4, %get3A_5] : memref<2x128xf32, #tpu.memory_space<vmem>>, vector<1x128xf32>
    %mul3A_7 = arith.constant 9.99999974E-5 : f32
    %mul3A_8 = vector.broadcast %mul3A_7 : f32 to vector<1x128xf32>
    %mul3A_9 = arith.mulf %get3A_6, %mul3A_8 : vector<1x128xf32>
    %mul3A_10 = arith.mulf %mul3A_3, %mul3A_3 : vector<1x128xf32>
    %sub3A = arith.subf %mul3A_9, %mul3A_10 : vector<1x128xf32>
    %get3A_11 = arith.constant 0 : index
    %get3A_12 = arith.constant 0 : index
    %get3A_13 = vector.load %arg1[%get3A_11, %get3A_12] : memref<2000x128xf32, #tpu.memory_space<vmem>>, vector<2000x128xf32>
    %sub3A_14 = vector.broadcast %mul3A_3 : vector<1x128xf32> to vector<2000x128xf32>
    %sub3A_15 = arith.subf %get3A_13, %sub3A_14 : vector<2000x128xf32>
    %add3A = arith.constant 9.99999974E-6 : f32
    %add3A_16 = vector.broadcast %add3A : f32 to vector<1x128xf32>
    %add3A_17 = arith.addf %sub3A, %add3A_16 : vector<1x128xf32>
    %rsqrt3A = math.rsqrt %add3A_17 : vector<1x128xf32>
    %mul3A_18 = vector.broadcast %rsqrt3A : vector<1x128xf32> to vector<2000x128xf32>
    %mul3A_19 = arith.mulf %sub3A_15, %mul3A_18 : vector<2000x128xf32>
    %get3A_20 = arith.constant 0 : index
    %get3A_21 = arith.constant 0 : index
    %get3A_22 = vector.load %arg3[%get3A_20, %get3A_21] : memref<1x128xf32, #tpu.memory_space<vmem>>, vector<1x128xf32>
    %mul3A_23 = vector.broadcast %get3A_22 : vector<1x128xf32> to vector<2000x128xf32>
    %mul3A_24 = arith.mulf %mul3A_19, %mul3A_23 : vector<2000x128xf32>
    %get3A_25 = arith.constant 0 : index
    %get3A_26 = arith.constant 0 : index
    %get3A_27 = vector.load %arg4[%get3A_25, %get3A_26] : memref<1x128xf32, #tpu.memory_space<vmem>>, vector<1x128xf32>
    %add3A_28 = vector.broadcast %get3A_27 : vector<1x128xf32> to vector<2000x128xf32>
    %add3A_29 = arith.addf %mul3A_24, %add3A_28 : vector<2000x128xf32>
    %get3A_30 = arith.constant 0 : index
    %get3A_31 = arith.constant 0 : index
    %get3A_32 = vector.load %arg5[%get3A_30, %get3A_31] : memref<1x1xf32, #tpu.memory_space<vmem>>, vector<1x1xf32>
    %get3A_33 = vector.extract %get3A_32[0, 0] : f32 from vector<1x1xf32>
    %ge3A = arith.constant 0.000000e+00 : f32
    %ge3A_34 = vector.broadcast %ge3A : f32 to vector<2000x128xf32>
    %ge3A_35 = arith.cmpf oge, %add3A_29, %ge3A_34 : vector<2000x128xf32>
    %mul3A_36 = vector.broadcast %get3A_33 : f32 to vector<2000x128xf32>
    %mul3A_37 = arith.mulf %mul3A_36, %add3A_29 : vector<2000x128xf32>
    %select_n3A = arith.select %ge3A_35, %add3A_29, %mul3A_37 : vector<2000x128xi1>, vector<2000x128xf32>
    %get3A_38 = arith.constant 0 : index
    %get3A_39 = arith.constant 0 : index
    %get3A_40 = vector.load %arg6[%get3A_38, %get3A_39] : memref<128x128xf32, #tpu.memory_space<vmem>>, vector<128x128xf32>
    %dot_general3A = arith.constant dense<0.000000e+00> : vector<2000x128xf32>
    %dot_general3A_41 = tpu.matmul %select_n3A, %get3A_40, %dot_general3A {dimension_numbers = #tpu.dot_dimension_numbers<[1], [0], [0], [1], [0, 0, 1, 1], [], []>, transpose_lhs_hint = false} : vector<2000x128xf32>, vector<128x128xf32>, vector<2000x128xf32> -> vector<2000x128xf32>
    %get3A_42 = arith.constant 0 : index
    %get3A_43 = arith.constant 0 : index
    %get3A_44 = vector.load %arg7[%get3A_42, %get3A_43] : memref<1x128xf32, #tpu.memory_space<vmem>>, vector<1x128xf32>
    %add3A_45 = vector.broadcast %get3A_44 : vector<1x128xf32> to vector<2000x128xf32>
    %add3A_46 = arith.addf %dot_general3A_41, %add3A_45 : vector<2000x128xf32>
    %get3A_47 = arith.constant 0 : index
    %get3A_48 = arith.constant 0 : index
    %get3A_49 = vector.load %arg8[%get3A_47, %get3A_48] : memref<2000x1xf32, #tpu.memory_space<vmem>>, vector<2000x1xf32>
    %mul3A_50 = vector.broadcast %get3A_49 : vector<2000x1xf32> to vector<2000x128xf32>
    %mul3A_51 = arith.mulf %add3A_46, %mul3A_50 : vector<2000x128xf32>
    %swap3A = arith.constant 0 : index
    %swap3A_52 = arith.constant 0 : index
    %swap3A_53 = vector.load %arg9[%swap3A, %swap3A_52] : memref<2000x128xf32, #tpu.memory_space<vmem>>, vector<2000x128xf32>
    tpu.vector_store %arg9[%swap3A, %swap3A_52], %mul3A_51 {strides = array<i32>} : memref<2000x128xf32, #tpu.memory_space<vmem>>, vector<2000x128xf32>,
    return
  }
  func.func @transform_0(%arg0: i32) -> (i32, i32) {
    %c0_i32 = arith.constant 0 : i32
    %c0_i32_0 = arith.constant 0 : i32
    return %arg0, %c0_i32 : i32, i32
  }
  func.func @transform_1(%arg0: i32) -> (i32, i32) {
    %c0_i32 = arith.constant 0 : i32
    %c0_i32_0 = arith.constant 0 : i32
    %c0_i32_1 = arith.constant 0 : i32
    return %c0_i32, %c0_i32_0 : i32, i32
  }
  func.func @transform_2(%arg0: i32) -> (i32, i32) {
    %c0_i32 = arith.constant 0 : i32
    %c0_i32_0 = arith.constant 0 : i32
    %c0_i32_1 = arith.constant 0 : i32
    return %c0_i32, %c0_i32_0 : i32, i32
  }
  func.func @transform_3(%arg0: i32) -> (i32, i32) {
    %c0_i32 = arith.constant 0 : i32
    %c0_i32_0 = arith.constant 0 : i32
    %c0_i32_1 = arith.constant 0 : i32
    return %c0_i32, %c0_i32_0 : i32, i32
  }
  func.func @transform_4(%arg0: i32) -> (i32, i32) {
    %c0_i32 = arith.constant 0 : i32
    %c0_i32_0 = arith.constant 0 : i32
    %c0_i32_1 = arith.constant 0 : i32
    return %c0_i32, %c0_i32_0 : i32, i32
  }
  func.func @transform_5(%arg0: i32) -> (i32, i32) {
    %c0_i32 = arith.constant 0 : i32
    %c0_i32_0 = arith.constant 0 : i32
    %c0_i32_1 = arith.constant 0 : i32
    return %c0_i32, %c0_i32_0 : i32, i32
  }
  func.func @transform_6(%arg0: i32) -> (i32, i32) {
    %c0_i32 = arith.constant 0 : i32
    %c0_i32_0 = arith.constant 0 : i32
    %c0_i32_1 = arith.constant 0 : i32
    return %c0_i32, %c0_i32_0 : i32, i32
  }
  func.func @transform_7(%arg0: i32) -> (i32, i32) {
    %c0_i32 = arith.constant 0 : i32
    %c0_i32_0 = arith.constant 0 : i32
    return %arg0, %c0_i32 : i32, i32
  }
  func.func @transform_8(%arg0: i32) -> (i32, i32) {
    %c0_i32 = arith.constant 0 : i32
    %c0_i32_0 = arith.constant 0 : i32
    return %arg0, %c0_i32 : i32, i32
  }
}

module attributes {stable_mosaic.version = 14 : i64} {
  func.func @body(%arg0: i32, %arg1: memref<2000x128xf32, #tpu.memory_space<vmem>>, %arg2: memref<2x128xf32, #tpu.memory_space<vmem>>, %arg3: memref<1x128xf32, #tpu.memory_space<vmem>>, %arg4: memref<1x128xf32, #tpu.memory_space<vmem>>, %arg5: memref<1x1xf32, #tpu.memory_space<vmem>>, %arg6: memref<128x10xf32, #tpu.memory_space<vmem>>, %arg7: memref<1x10xf32, #tpu.memory_space<vmem>>, %arg8: memref<2000x1xi32, #tpu.memory_space<vmem>>, %arg9: memref<2000x1xi32, #tpu.memory_space<vmem>>, %arg10: memref<2000x1xf32, #tpu.memory_space<vmem>>, %arg11: memref<1x1xf32, #tpu.memory_space<vmem>>, %arg12: memref<2000x10xf32, #tpu.memory_space<vmem>>, %arg13: memref<2000x1xf32, #tpu.memory_space<vmem>>, %arg14: memref<1x1xf32, #tpu.memory_space<vmem>>, %arg15: memref<1x1xf32, #tpu.memory_space<vmem>>, %arg16: memref<2000x1xf32, #tpu.memory_space<vmem>>, %arg17: memref<4xf32, #tpu.memory_space<smem>>) attributes {dimension_semantics = [#tpu.dimension_semantics<arbitrary>], iteration_bounds = array<i64: 5>, scalar_prefetch = 0 : i64, scratch_operands = 1 : i64, tpu.core_type = #tpu.core_type<tc>, window_params = [{transform_indices = @transform_0, window_bounds = array<i64: 2000, 128>}, {pipeline_mode = #tpu.pipeline_mode<synchronous>, transform_indices = @transform_1, window_bounds = array<i64: 2, 128>}, {pipeline_mode = #tpu.pipeline_mode<synchronous>, transform_indices = @transform_2, window_bounds = array<i64: 1, 128>}, {pipeline_mode = #tpu.pipeline_mode<synchronous>, transform_indices = @transform_3, window_bounds = array<i64: 1, 128>}, {pipeline_mode = #tpu.pipeline_mode<synchronous>, transform_indices = @transform_4, window_bounds = array<i64: 1, 1>}, {pipeline_mode = #tpu.pipeline_mode<synchronous>, transform_indices = @transform_5, window_bounds = array<i64: 128, 10>}, {pipeline_mode = #tpu.pipeline_mode<synchronous>, transform_indices = @transform_6, window_bounds = array<i64: 1, 10>}, {transform_indices = @transform_7, window_bounds = array<i64: 2000, 1>}, {transform_indices = @transform_8, window_bounds = array<i64: 2000, 1>}, {transform_indices = @transform_9, window_bounds = array<i64: 2000, 1>}, {pipeline_mode = #tpu.pipeline_mode<synchronous>, transform_indices = @transform_10, window_bounds = array<i64: 1, 1>}, {transform_indices = @transform_11, window_bounds = array<i64: 2000, 10>}, {transform_indices = @transform_12, window_bounds = array<i64: 2000, 1>}, {pipeline_mode = #tpu.pipeline_mode<synchronous>, transform_indices = @transform_13, window_bounds = array<i64: 1, 1>}, {pipeline_mode = #tpu.pipeline_mode<synchronous>, transform_indices = @transform_14, window_bounds = array<i64: 1, 1>}, {transform_indices = @transform_15, window_bounds = array<i64: 2000, 1>}]} {
    %get3A = arith.constant 0 : index
    %get3A_0 = arith.constant 0 : index
    %get3A_1 = vector.load %arg2[%get3A, %get3A_0] : memref<2x128xf32, #tpu.memory_space<vmem>>, vector<1x128xf32>
    %mul3A = arith.constant 9.99999974E-5 : f32
    %mul3A_2 = vector.broadcast %mul3A : f32 to vector<1x128xf32>
    %mul3A_3 = arith.mulf %get3A_1, %mul3A_2 : vector<1x128xf32>
    %get3A_4 = arith.constant 1 : index
    %get3A_5 = arith.constant 0 : index
    %get3A_6 = vector.load %arg2[%get3A_4, %get3A_5] : memref<2x128xf32, #tpu.memory_space<vmem>>, vector<1x128xf32>
    %mul3A_7 = arith.constant 9.99999974E-5 : f32
    %mul3A_8 = vector.broadcast %mul3A_7 : f32 to vector<1x128xf32>
    %mul3A_9 = arith.mulf %get3A_6, %mul3A_8 : vector<1x128xf32>
    %mul3A_10 = arith.mulf %mul3A_3, %mul3A_3 : vector<1x128xf32>
    %sub3A = arith.subf %mul3A_9, %mul3A_10 : vector<1x128xf32>
    %get3A_11 = arith.constant 0 : index
    %get3A_12 = arith.constant 0 : index
    %get3A_13 = vector.load %arg1[%get3A_11, %get3A_12] : memref<2000x128xf32, #tpu.memory_space<vmem>>, vector<2000x128xf32>
    %sub3A_14 = vector.broadcast %mul3A_3 : vector<1x128xf32> to vector<2000x128xf32>
    %sub3A_15 = arith.subf %get3A_13, %sub3A_14 : vector<2000x128xf32>
    %add3A = arith.constant 9.99999974E-6 : f32
    %add3A_16 = vector.broadcast %add3A : f32 to vector<1x128xf32>
    %add3A_17 = arith.addf %sub3A, %add3A_16 : vector<1x128xf32>
    %rsqrt3A = math.rsqrt %add3A_17 : vector<1x128xf32>
    %mul3A_18 = vector.broadcast %rsqrt3A : vector<1x128xf32> to vector<2000x128xf32>
    %mul3A_19 = arith.mulf %sub3A_15, %mul3A_18 : vector<2000x128xf32>
    %get3A_20 = arith.constant 0 : index
    %get3A_21 = arith.constant 0 : index
    %get3A_22 = vector.load %arg3[%get3A_20, %get3A_21] : memref<1x128xf32, #tpu.memory_space<vmem>>, vector<1x128xf32>
    %mul3A_23 = vector.broadcast %get3A_22 : vector<1x128xf32> to vector<2000x128xf32>
    %mul3A_24 = arith.mulf %mul3A_19, %mul3A_23 : vector<2000x128xf32>
    %get3A_25 = arith.constant 0 : index
    %get3A_26 = arith.constant 0 : index
    %get3A_27 = vector.load %arg4[%get3A_25, %get3A_26] : memref<1x128xf32, #tpu.memory_space<vmem>>, vector<1x128xf32>
    %add3A_28 = vector.broadcast %get3A_27 : vector<1x128xf32> to vector<2000x128xf32>
    %add3A_29 = arith.addf %mul3A_24, %add3A_28 : vector<2000x128xf32>
    %get3A_30 = arith.constant 0 : index
    %get3A_31 = arith.constant 0 : index
    %get3A_32 = vector.load %arg5[%get3A_30, %get3A_31] : memref<1x1xf32, #tpu.memory_space<vmem>>, vector<1x1xf32>
    %get3A_33 = vector.extract %get3A_32[0, 0] : f32 from vector<1x1xf32>
    %ge3A = arith.constant 0.000000e+00 : f32
    %ge3A_34 = vector.broadcast %ge3A : f32 to vector<2000x128xf32>
    %ge3A_35 = arith.cmpf oge, %add3A_29, %ge3A_34 : vector<2000x128xf32>
    %mul3A_36 = vector.broadcast %get3A_33 : f32 to vector<2000x128xf32>
    %mul3A_37 = arith.mulf %mul3A_36, %add3A_29 : vector<2000x128xf32>
    %select_n3A = arith.select %ge3A_35, %add3A_29, %mul3A_37 : vector<2000x128xi1>, vector<2000x128xf32>
    %get3A_38 = arith.constant 0 : index
    %get3A_39 = arith.constant 0 : index
    %get3A_40 = vector.load %arg6[%get3A_38, %get3A_39] : memref<128x10xf32, #tpu.memory_space<vmem>>, vector<128x10xf32>
    %dot_general3A = arith.constant dense<0.000000e+00> : vector<2000x10xf32>
    %dot_general3A_41 = tpu.matmul %select_n3A, %get3A_40, %dot_general3A {dimension_numbers = #tpu.dot_dimension_numbers<[1], [0], [0], [1], [0, 0, 1, 1], [], []>, transpose_lhs_hint = false} : vector<2000x128xf32>, vector<128x10xf32>, vector<2000x10xf32> -> vector<2000x10xf32>
    %get3A_42 = arith.constant 0 : index
    %get3A_43 = arith.constant 0 : index
    %get3A_44 = vector.load %arg7[%get3A_42, %get3A_43] : memref<1x10xf32, #tpu.memory_space<vmem>>, vector<1x10xf32>
    %add3A_45 = vector.broadcast %get3A_44 : vector<1x10xf32> to vector<2000x10xf32>
    %add3A_46 = arith.addf %dot_general3A_41, %add3A_45 : vector<2000x10xf32>
    %reduce_max3A = arith.constant dense<0xFF800000> : vector<2000xf32>
    %reduce_max3A_47 = vector.multi_reduction <maximumf>, %add3A_46, %reduce_max3A [1] : vector<2000x10xf32> to vector<2000xf32>
    %broadcast_in_dim3A = vector.shape_cast %reduce_max3A_47 : vector<2000xf32> to vector<2000x1xf32>
    %sub3A_48 = vector.broadcast %broadcast_in_dim3A : vector<2000x1xf32> to vector<2000x10xf32>
    %sub3A_49 = arith.subf %add3A_46, %sub3A_48 : vector<2000x10xf32>
    %exp3A = math.exp %sub3A_49 : vector<2000x10xf32>
    %reduce_sum3A = arith.constant dense<0.000000e+00> : vector<2000xf32>
    %reduce_sum3A_50 = vector.multi_reduction <add>, %exp3A, %reduce_sum3A [1] : vector<2000x10xf32> to vector<2000xf32>
    %broadcast_in_dim3A_51 = vector.shape_cast %reduce_sum3A_50 : vector<2000xf32> to vector<2000x1xf32>
    %div3A = vector.broadcast %broadcast_in_dim3A_51 : vector<2000x1xf32> to vector<2000x10xf32>
    %div3A_52 = arith.divf %exp3A, %div3A : vector<2000x10xf32>
    %swap3A = arith.constant 0 : index
    %swap3A_53 = arith.constant 0 : index
    %swap3A_54 = vector.load %arg12[%swap3A, %swap3A_53] : memref<2000x10xf32, #tpu.memory_space<vmem>>, vector<2000x10xf32>
    tpu.vector_store %arg12[%swap3A, %swap3A_53], %div3A_52 {strides = array<i32>} : memref<2000x10xf32, #tpu.memory_space<vmem>>, vector<2000x10xf32>,
    %add3A_55 = arith.constant 9.99999993E-9 : f32
    %add3A_56 = vector.broadcast %add3A_55 : f32 to vector<2000x10xf32>
    %add3A_57 = arith.addf %div3A_52, %add3A_56 : vector<2000x10xf32>
    %log3A = math.log %add3A_57 : vector<2000x10xf32>
    %iota3A = tpu.iota {dimensions = array<i32: 1>} : vector<2000x10xi32>
    %get3A_58 = arith.constant 0 : index
    %get3A_59 = arith.constant 0 : index
    %get3A_60 = vector.load %arg8[%get3A_58, %get3A_59] : memref<2000x1xi32, #tpu.memory_space<vmem>>, vector<2000x1xi32>
    %eq3A = vector.broadcast %get3A_60 : vector<2000x1xi32> to vector<2000x10xi32>
    %eq3A_61 = arith.cmpi eq, %iota3A, %eq3A : vector<2000x10xi32>
    %convert_element_type3A = arith.extui %eq3A_61 : vector<2000x10xi1> to vector<2000x10xi32>
    %convert_element_type3A_62 = arith.sitofp %convert_element_type3A : vector<2000x10xi32> to vector<2000x10xf32>
    %mul3A_63 = arith.mulf %log3A, %convert_element_type3A_62 : vector<2000x10xf32>
    %reduce_sum3A_64 = arith.constant dense<0.000000e+00> : vector<2000xf32>
    %reduce_sum3A_65 = vector.multi_reduction <add>, %mul3A_63, %reduce_sum3A_64 [1] : vector<2000x10xf32> to vector<2000xf32>
    %broadcast_in_dim3A_66 = vector.shape_cast %reduce_sum3A_65 : vector<2000xf32> to vector<2000x1xf32>
    %get3A_67 = arith.constant 0 : index
    %get3A_68 = arith.constant 0 : index
    %get3A_69 = vector.load %arg10[%get3A_67, %get3A_68] : memref<2000x1xf32, #tpu.memory_space<vmem>>, vector<2000x1xf32>
    %reduce_max3A_70 = arith.constant dense<0xFF800000> : vector<2000xf32>
    %reduce_max3A_71 = vector.multi_reduction <maximumf>, %div3A_52, %reduce_max3A_70 [1] : vector<2000x10xf32> to vector<2000xf32>
    %broadcast_in_dim3A_72 = vector.shape_cast %reduce_max3A_71 : vector<2000xf32> to vector<2000x1xf32>
    %swap3A_73 = arith.constant 0 : index
    %swap3A_74 = arith.constant 0 : index
    %swap3A_75 = vector.load %arg13[%swap3A_73, %swap3A_74] : memref<2000x1xf32, #tpu.memory_space<vmem>>, vector<2000x1xf32>
    tpu.vector_store %arg13[%swap3A_73, %swap3A_74], %broadcast_in_dim3A_72 {strides = array<i32>} : memref<2000x1xf32, #tpu.memory_space<vmem>>, vector<2000x1xf32>,
    %add3A_76 = arith.constant 9.99999996E-13 : f32
    %add3A_77 = vector.broadcast %add3A_76 : f32 to vector<2000x10xf32>
    %add3A_78 = arith.addf %div3A_52, %add3A_77 : vector<2000x10xf32>
    %log3A_79 = math.log %add3A_78 : vector<2000x10xf32>
    %mul3A_80 = arith.mulf %div3A_52, %log3A_79 : vector<2000x10xf32>
    %reduce_sum3A_81 = arith.constant dense<0.000000e+00> : vector<2000xf32>
    %reduce_sum3A_82 = vector.multi_reduction <add>, %mul3A_80, %reduce_sum3A_81 [1] : vector<2000x10xf32> to vector<2000xf32>
    %broadcast_in_dim3A_83 = vector.shape_cast %reduce_sum3A_82 : vector<2000xf32> to vector<2000x1xf32>
    %neg3A = arith.constant 0.000000e+00 : f32
    %neg3A_84 = vector.broadcast %neg3A : f32 to vector<2000x1xf32>
    %neg3A_85 = arith.subf %neg3A_84, %broadcast_in_dim3A_83 : vector<2000x1xf32>
    %swap3A_86 = arith.constant 0 : index
    %swap3A_87 = arith.constant 0 : index
    %swap3A_88 = vector.load %arg16[%swap3A_86, %swap3A_87] : memref<2000x1xf32, #tpu.memory_space<vmem>>, vector<2000x1xf32>
    tpu.vector_store %arg16[%swap3A_86, %swap3A_87], %neg3A_85 {strides = array<i32>} : memref<2000x1xf32, #tpu.memory_space<vmem>>, vector<2000x1xf32>,
    %eq3A_89 = vector.broadcast %broadcast_in_dim3A_72 : vector<2000x1xf32> to vector<2000x10xf32>
    %eq3A_90 = arith.cmpf oeq, %div3A_52, %eq3A_89 : vector<2000x10xf32>
    %jit3A = arith.constant 10 : i32
    %broadcast_in_dim3A_91 = vector.broadcast %jit3A : i32 to vector<2000x10xi32>
    %select_n3A_92 = arith.select %eq3A_90, %iota3A, %broadcast_in_dim3A_91 : vector<2000x10xi1>, vector<2000x10xi32>
    %reduce_min3A = arith.constant dense<2147483647> : vector<2000xi32>
    %reduce_min3A_93 = vector.multi_reduction <minsi>, %select_n3A_92, %reduce_min3A [1] : vector<2000x10xi32> to vector<2000xi32>
    %broadcast_in_dim3A_94 = vector.shape_cast %reduce_min3A_93 : vector<2000xi32> to vector<2000x1xi32>
    %get3A_95 = arith.constant 0 : index
    %get3A_96 = arith.constant 0 : index
    %get3A_97 = vector.load %arg8[%get3A_95, %get3A_96] : memref<2000x1xi32, #tpu.memory_space<vmem>>, vector<2000x1xi32>
    %eq3A_98 = arith.cmpi eq, %broadcast_in_dim3A_94, %get3A_97 : vector<2000x1xi32>
    %gt3A = arith.constant 0.000000e+00 : f32
    %gt3A_99 = vector.broadcast %gt3A : f32 to vector<2000x1xf32>
    %gt3A_100 = arith.cmpf ogt, %get3A_69, %gt3A_99 : vector<2000x1xf32>
    %and3A = arith.andi %eq3A_98, %gt3A_100 : vector<2000x1xi1>
    %jit3A_101 = arith.constant 1.000000e+00 : f32
    %jit3A_102 = arith.constant 0.000000e+00 : f32
    %broadcast_in_dim3A_103 = vector.broadcast %jit3A_101 : f32 to vector<2000x1xf32>
    %broadcast_in_dim3A_104 = vector.broadcast %jit3A_102 : f32 to vector<2000x1xf32>
    %select_n3A_105 = arith.select %and3A, %broadcast_in_dim3A_103, %broadcast_in_dim3A_104 : vector<2000x1xi1>, vector<2000x1xf32>
    %reduce_sum3A_106 = vector.shape_cast %select_n3A_105 : vector<2000x1xf32> to vector<1x2000x1xf32>
    %reduce_sum3A_107 = arith.constant dense<0.000000e+00> : vector<1xf32>
    %reduce_sum3A_108 = vector.multi_reduction <add>, %reduce_sum3A_106, %reduce_sum3A_107 [1, 2] : vector<1x2000x1xf32> to vector<1xf32>
    %reduce_sum3A_109 = vector.shape_cast %reduce_sum3A_108 : vector<1xf32> to vector<1x1x1xf32>
    %reduce_sum3A_110 = vector.extract %reduce_sum3A_109[0, 0, 0] : f32 from vector<1x1x1xf32>
    %get3A_111 = arith.constant 0 : index
    %get3A_112 = arith.constant 0 : index
    %get3A_113 = vector.load %arg9[%get3A_111, %get3A_112] : memref<2000x1xi32, #tpu.memory_space<vmem>>, vector<2000x1xi32>
    %eq3A_114 = arith.cmpi eq, %broadcast_in_dim3A_94, %get3A_113 : vector<2000x1xi32>
    %gt3A_115 = arith.constant 0.000000e+00 : f32
    %gt3A_116 = vector.broadcast %gt3A_115 : f32 to vector<2000x1xf32>
    %gt3A_117 = arith.cmpf ogt, %get3A_69, %gt3A_116 : vector<2000x1xf32>
    %and3A_118 = arith.andi %eq3A_114, %gt3A_117 : vector<2000x1xi1>
    %jit3A_119 = arith.constant 1.000000e+00 : f32
    %jit3A_120 = arith.constant 0.000000e+00 : f32
    %broadcast_in_dim3A_121 = vector.broadcast %jit3A_119 : f32 to vector<2000x1xf32>
    %broadcast_in_dim3A_122 = vector.broadcast %jit3A_120 : f32 to vector<2000x1xf32>
    %select_n3A_123 = arith.select %and3A_118, %broadcast_in_dim3A_121, %broadcast_in_dim3A_122 : vector<2000x1xi1>, vector<2000x1xf32>
    %reduce_sum3A_124 = vector.shape_cast %select_n3A_123 : vector<2000x1xf32> to vector<1x2000x1xf32>
    %reduce_sum3A_125 = arith.constant dense<0.000000e+00> : vector<1xf32>
    %reduce_sum3A_126 = vector.multi_reduction <add>, %reduce_sum3A_124, %reduce_sum3A_125 [1, 2] : vector<1x2000x1xf32> to vector<1xf32>
    %reduce_sum3A_127 = vector.shape_cast %reduce_sum3A_126 : vector<1xf32> to vector<1x1x1xf32>
    %reduce_sum3A_128 = vector.extract %reduce_sum3A_127[0, 0, 0] : f32 from vector<1x1x1xf32>
    %mul3A_129 = arith.mulf %broadcast_in_dim3A_66, %get3A_69 : vector<2000x1xf32>
    %reduce_sum3A_130 = vector.shape_cast %mul3A_129 : vector<2000x1xf32> to vector<1x2000x1xf32>
    %reduce_sum3A_131 = arith.constant dense<0.000000e+00> : vector<1xf32>
    %reduce_sum3A_132 = vector.multi_reduction <add>, %reduce_sum3A_130, %reduce_sum3A_131 [1, 2] : vector<1x2000x1xf32> to vector<1xf32>
    %reduce_sum3A_133 = vector.shape_cast %reduce_sum3A_132 : vector<1xf32> to vector<1x1x1xf32>
    %reduce_sum3A_134 = vector.extract %reduce_sum3A_133[0, 0, 0] : f32 from vector<1x1x1xf32>
    %reduce_sum3A_135 = vector.shape_cast %get3A_69 : vector<2000x1xf32> to vector<1x2000x1xf32>
    %reduce_sum3A_136 = arith.constant dense<0.000000e+00> : vector<1xf32>
    %reduce_sum3A_137 = vector.multi_reduction <add>, %reduce_sum3A_135, %reduce_sum3A_136 [1, 2] : vector<1x2000x1xf32> to vector<1xf32>
    %reduce_sum3A_138 = vector.shape_cast %reduce_sum3A_137 : vector<1xf32> to vector<1x1x1xf32>
    %reduce_sum3A_139 = vector.extract %reduce_sum3A_138[0, 0, 0] : f32 from vector<1x1x1xf32>
    %eq3A_140 = arith.constant 0 : i32
    %eq3A_141 = arith.cmpi eq, %arg0, %eq3A_140 : i32
    %convert_element_type3A_142 = arith.extui %eq3A_141 : i1 to i32
    %cond3A = arith.constant 0 : i32
    %cond3A_143 = arith.cmpi ne, %convert_element_type3A_142, %cond3A : i32
    scf.if %cond3A_143 {
      %swap3A_169 = arith.constant 0.000000e+00 : f32
      %swap3A_170 = arith.constant 0 : index
      %swap3A_171 = memref.load %arg17[%swap3A_170] : memref<4xf32, #tpu.memory_space<smem>>
      memref.store %swap3A_169, %arg17[%swap3A_170] : memref<4xf32, #tpu.memory_space<smem>>
      %swap3A_172 = arith.constant 0.000000e+00 : f32
      %swap3A_173 = arith.constant 1 : index
      %swap3A_174 = memref.load %arg17[%swap3A_173] : memref<4xf32, #tpu.memory_space<smem>>
      memref.store %swap3A_172, %arg17[%swap3A_173] : memref<4xf32, #tpu.memory_space<smem>>
      %swap3A_175 = arith.constant 0.000000e+00 : f32
      %swap3A_176 = arith.constant 2 : index
      %swap3A_177 = memref.load %arg17[%swap3A_176] : memref<4xf32, #tpu.memory_space<smem>>
      memref.store %swap3A_175, %arg17[%swap3A_176] : memref<4xf32, #tpu.memory_space<smem>>
      %swap3A_178 = arith.constant 0.000000e+00 : f32
      %swap3A_179 = arith.constant 3 : index
      %swap3A_180 = memref.load %arg17[%swap3A_179] : memref<4xf32, #tpu.memory_space<smem>>
      memref.store %swap3A_178, %arg17[%swap3A_179] : memref<4xf32, #tpu.memory_space<smem>>
    } else {
    }
    %get3A_144 = arith.constant 0 : index
    %get3A_145 = memref.load %arg17[%get3A_144] : memref<4xf32, #tpu.memory_space<smem>>
    %add3A_146 = arith.addf %get3A_145, %reduce_sum3A_134 : f32
    %swap3A_147 = arith.constant 0 : index
    %swap3A_148 = memref.load %arg17[%swap3A_147] : memref<4xf32, #tpu.memory_space<smem>>
    memref.store %add3A_146, %arg17[%swap3A_147] : memref<4xf32, #tpu.memory_space<smem>>
    %get3A_149 = arith.constant 1 : index
    %get3A_150 = memref.load %arg17[%get3A_149] : memref<4xf32, #tpu.memory_space<smem>>
    %add3A_151 = arith.addf %get3A_150, %reduce_sum3A_139 : f32
    %swap3A_152 = arith.constant 1 : index
    %swap3A_153 = memref.load %arg17[%swap3A_152] : memref<4xf32, #tpu.memory_space<smem>>
    memref.store %add3A_151, %arg17[%swap3A_152] : memref<4xf32, #tpu.memory_space<smem>>
    %get3A_154 = arith.constant 2 : index
    %get3A_155 = memref.load %arg17[%get3A_154] : memref<4xf32, #tpu.memory_space<smem>>
    %add3A_156 = arith.addf %get3A_155, %reduce_sum3A_110 : f32
    %swap3A_157 = arith.constant 2 : index
    %swap3A_158 = memref.load %arg17[%swap3A_157] : memref<4xf32, #tpu.memory_space<smem>>
    memref.store %add3A_156, %arg17[%swap3A_157] : memref<4xf32, #tpu.memory_space<smem>>
    %get3A_159 = arith.constant 3 : index
    %get3A_160 = memref.load %arg17[%get3A_159] : memref<4xf32, #tpu.memory_space<smem>>
    %add3A_161 = arith.addf %get3A_160, %reduce_sum3A_128 : f32
    %swap3A_162 = arith.constant 3 : index
    %swap3A_163 = memref.load %arg17[%swap3A_162] : memref<4xf32, #tpu.memory_space<smem>>
    memref.store %add3A_161, %arg17[%swap3A_162] : memref<4xf32, #tpu.memory_space<smem>>
    %eq3A_164 = arith.constant 4 : i32
    %eq3A_165 = arith.cmpi eq, %arg0, %eq3A_164 : i32
    %convert_element_type3A_166 = arith.extui %eq3A_165 : i1 to i32
    %cond3A_167 = arith.constant 0 : i32
    %cond3A_168 = arith.cmpi ne, %convert_element_type3A_166, %cond3A_167 : i32
    scf.if %cond3A_168 {
      %get3A_169 = arith.constant 0 : index
      %get3A_170 = memref.load %arg17[%get3A_169] : memref<4xf32, #tpu.memory_space<smem>>
      %neg3A_171 = arith.constant 0.000000e+00 : f32
      %neg3A_172 = arith.subf %neg3A_171, %get3A_170 : f32
      %get3A_173 = arith.constant 1 : index
      %get3A_174 = memref.load %arg17[%get3A_173] : memref<4xf32, #tpu.memory_space<smem>>
      %max3A = arith.constant 1.000000e+00 : f32
      %max3A_175 = arith.maximumf %get3A_174, %max3A : f32
      %div3A_176 = arith.divf %neg3A_172, %max3A_175 : f32
      %broadcast_in_dim3A_177 = vector.broadcast %div3A_176 : f32 to vector<1x1xf32>
      %swap3A_178 = arith.constant 0 : index
      %swap3A_179 = arith.constant 0 : index
      %swap3A_180 = vector.load %arg11[%swap3A_178, %swap3A_179] : memref<1x1xf32, #tpu.memory_space<vmem>>, vector<1x1xf32>
      tpu.vector_store %arg11[%swap3A_178, %swap3A_179], %broadcast_in_dim3A_177 {strides = array<i32>} : memref<1x1xf32, #tpu.memory_space<vmem>>, vector<1x1xf32>,
      %get3A_181 = arith.constant 2 : index
      %get3A_182 = memref.load %arg17[%get3A_181] : memref<4xf32, #tpu.memory_space<smem>>
      %broadcast_in_dim3A_183 = vector.broadcast %get3A_182 : f32 to vector<1x1xf32>
      %swap3A_184 = arith.constant 0 : index
      %swap3A_185 = arith.constant 0 : index
      %swap3A_186 = vector.load %arg14[%swap3A_184, %swap3A_185] : memref<1x1xf32, #tpu.memory_space<vmem>>, vector<1x1xf32>
      tpu.vector_store %arg14[%swap3A_184, %swap3A_185], %broadcast_in_dim3A_183 {strides = array<i32>} : memref<1x1xf32, #tpu.memory_space<vmem>>, vector<1x1xf32>,
      %get3A_187 = arith.constant 3 : index
      %get3A_188 = memref.load %arg17[%get3A_187] : memref<4xf32, #tpu.memory_space<smem>>
      %broadcast_in_dim3A_189 = vector.broadcast %get3A_188 : f32 to vector<1x1xf32>
      %swap3A_190 = arith.constant 0 : index
      %swap3A_191 = arith.constant 0 : index
      %swap3A_192 = vector.load %arg15[%swap3A_190, %swap3A_191] : memref<1x1xf32, #tpu.memory_space<vmem>>, vector<1x1xf32>
      tpu.vector_store %arg15[%swap3A_190, %swap3A_191], %broadcast_in_dim3A_189 {strides = array<i32>} : memref<1x1xf32, #tpu.memory_space<vmem>>, vector<1x1xf32>,
    } else {
    }
    return
  }
  func.func @transform_0(%arg0: i32) -> (i32, i32) {
    %c0_i32 = arith.constant 0 : i32
    %c0_i32_0 = arith.constant 0 : i32
    return %arg0, %c0_i32 : i32, i32
  }
  func.func @transform_1(%arg0: i32) -> (i32, i32) {
    %c0_i32 = arith.constant 0 : i32
    %c0_i32_0 = arith.constant 0 : i32
    %c0_i32_1 = arith.constant 0 : i32
    return %c0_i32, %c0_i32_0 : i32, i32
  }
  func.func @transform_2(%arg0: i32) -> (i32, i32) {
    %c0_i32 = arith.constant 0 : i32
    %c0_i32_0 = arith.constant 0 : i32
    %c0_i32_1 = arith.constant 0 : i32
    return %c0_i32, %c0_i32_0 : i32, i32
  }
  func.func @transform_3(%arg0: i32) -> (i32, i32) {
    %c0_i32 = arith.constant 0 : i32
    %c0_i32_0 = arith.constant 0 : i32
    %c0_i32_1 = arith.constant 0 : i32
    return %c0_i32, %c0_i32_0 : i32, i32
  }
  func.func @transform_4(%arg0: i32) -> (i32, i32) {
    %c0_i32 = arith.constant 0 : i32
    %c0_i32_0 = arith.constant 0 : i32
    %c0_i32_1 = arith.constant 0 : i32
    return %c0_i32, %c0_i32_0 : i32, i32
  }
  func.func @transform_5(%arg0: i32) -> (i32, i32) {
    %c0_i32 = arith.constant 0 : i32
    %c0_i32_0 = arith.constant 0 : i32
    %c0_i32_1 = arith.constant 0 : i32
    return %c0_i32, %c0_i32_0 : i32, i32
  }
  func.func @transform_6(%arg0: i32) -> (i32, i32) {
    %c0_i32 = arith.constant 0 : i32
    %c0_i32_0 = arith.constant 0 : i32
    %c0_i32_1 = arith.constant 0 : i32
    return %c0_i32, %c0_i32_0 : i32, i32
  }
  func.func @transform_7(%arg0: i32) -> (i32, i32) {
    %c0_i32 = arith.constant 0 : i32
    %c0_i32_0 = arith.constant 0 : i32
    return %arg0, %c0_i32 : i32, i32
  }
  func.func @transform_8(%arg0: i32) -> (i32, i32) {
    %c0_i32 = arith.constant 0 : i32
    %c0_i32_0 = arith.constant 0 : i32
    return %arg0, %c0_i32 : i32, i32
  }
  func.func @transform_9(%arg0: i32) -> (i32, i32) {
    %c0_i32 = arith.constant 0 : i32
    %c0_i32_0 = arith.constant 0 : i32
    return %arg0, %c0_i32 : i32, i32
  }
  func.func @transform_10(%arg0: i32) -> (i32, i32) {
    %c0_i32 = arith.constant 0 : i32
    %c0_i32_0 = arith.constant 0 : i32
    %c0_i32_1 = arith.constant 0 : i32
    return %c0_i32, %c0_i32_0 : i32, i32
  }
  func.func @transform_11(%arg0: i32) -> (i32, i32) {
    %c0_i32 = arith.constant 0 : i32
    %c0_i32_0 = arith.constant 0 : i32
    return %arg0, %c0_i32 : i32, i32
  }
  func.func @transform_12(%arg0: i32) -> (i32, i32) {
    %c0_i32 = arith.constant 0 : i32
    %c0_i32_0 = arith.constant 0 : i32
    return %arg0, %c0_i32 : i32, i32
  }
  func.func @transform_13(%arg0: i32) -> (i32, i32) {
    %c0_i32 = arith.constant 0 : i32
    %c0_i32_0 = arith.constant 0 : i32
    %c0_i32_1 = arith.constant 0 : i32
    return %c0_i32, %c0_i32_0 : i32, i32
  }
  func.func @transform_14(%arg0: i32) -> (i32, i32) {
    %c0_i32 = arith.constant 0 : i32
    %c0_i32_0 = arith.constant 0 : i32
    %c0_i32_1 = arith.constant 0 : i32
    return %c0_i32, %c0_i32_0 : i32, i32
  }
  func.func @transform_15(%arg0: i32) -> (i32, i32) {
    %c0_i32 = arith.constant 0 : i32
    %c0_i32_0 = arith.constant 0 : i32
    return %arg0, %c0_i32 : i32, i32
  }
}

</mosaic_0001>

<sc_bundles>
// kernel: kernel.10.cloned.1.call-start
scs
__scs_entry_jumppad:
0x0: {  	(pc) =	sbr.rel $0x88, $3  }
0x1: {  	(tag) =	ssettag $0x0;
	lr =	simm.s32 $0x1  }
0x2: {  	[smem:$0x3F90] =	sst lr;
	_ =	strace $0xD0000000  }
0x3: {  	_ = 	snop  }
0x4: {  	_ = 	snop  }
0x5: {  	_ = 	snop  }
0x6: {  	_ = 	snop  }
0x7: {  	_ = 	snop  }
__scs_overlays_trampoline_lowered:
0x8: {  	[smem:$0x3F9F] =	sst s0  }
0x9: {  	[smem:$0x3FA0] =	sst s1  }
0xa: {  	[smem:$0x3FA1] =	sst s2  }
0xb: {  	[smem:$0x3FA2] =	sst s3  }
0xc: {  	[smem:$0x3FA3] =	sst s4  }
0xd: {  	[smem:$0x3FA4] =	sst s5  }
0xe: {  	[smem:$0x3FA5] =	sst s6  }
0xf: {  	[smem:$0x3FA6] =	sst s7  }
0x10: {  	[smem:$0x3FA7] =	sst s8  }
0x11: {  	[smem:$0x3FA8] =	sst s9;
	s0 =	simm.s32 @!p0 $0x0  }
0x12: {  	s1 =	sld [smem:$0x3F8E];
	s0 =	simm.s32 @p0 $0x1  }
0x13: {  	[smem:$0x3FA9] =	sst s0;
	s0 =	simm.s32 @!p1 $0x0  }
0x14: {  	s2 =	sld [smem:$0x3F8D];
	s0 =	simm.s32 @p1 $0x1  }
0x15: {  	[smem:$0x3FAA] =	sst s0;
	s0 =	simm.s32 @!p2 $0x0  }
0x16: {  	s3 =	sld [smem:$0x3FDB];
	s0 =	simm.s32 @p2 $0x1  }
0x17: {  	s4 =	simm.s32 $0x1BF5;
	[smem:$0x3FAC] =	sst s0  }
0x18: {  	s0 =	sld [smem:$0x3F8F];
	_ =	swait.ge [sflag:s4], $0x0  }
0x19: {  	s7 =	sld [smem:$0x3F90]  }
0x1a: {  	s8 =	sadd.s32 $0xFFFFE003, lr  }
0x1b: {  	s9 =	sadd.s32 $0xFFFFFEF7, lr;
	s5 =	simm.s32 $0xFFFFFFFF;
	p2 =	slt.u32 s8, $0xFFFFF086  }
0x1c: {  	p1 =	slt.u32 s9, $0xF7A;
	s5 =	simm.s32 @!p2 $0x0  }
0x1d: {  	s5 =	simm.s32 @p1 $0x1;
	p0 =	seq.s32 s7, s2  }
0x1e: {  	s7 =	smul.u32 @!p0 $0xF7A, s2;
	p2 =	seq.s32 @!p0 s5, $0x0  }
0x1f: {  	s9 =	smul.u32 $0xF7A, s1;
	s8 =	simm.s32 @!p0 $0x1BF5;
	p2 =	por !p2, p0  }
0x20: {  	[sflag:s8] =	ssyncset.s32 @!p0 $0xFFFFF086;
	s6 =	sadd.s32 @!p0 s3, s7;
	s7 =	simm.s32 @!p0 $0x108  }
0x21: {  	s3 =	sadd.s32 s3, s9;
	s6 =	sadd.s32 @!p0 $0x88, s6;
	s7 =	simm.s32 @p2 $0x1082  }
0x22: {  	[simem:s7], [sflag:s8] =	dma.local @!p0 [hbm:s6], $0xF7A  }
0x23: {  	s9 =	sor.u32 $0xD0000000, s2;
	s6 =	simm.s32 $0x108;
	_ =	swait.ge @!p0 [sflag:s8], $0x0  }
0x24: {  	s3 =	sadd.s32 $0x88, s3;
	s6 =	simm.s32 @!p1 $0x1082;
	[sflag:s4] =	ssyncset.s32 $0xFFFFF086  }
0x25: {  	[simem:s6], [sflag:s4] =	dma.local [hbm:s3], $0xF7A  }
0x26: {  	[smem:$0x3F90] =	sst s1;
	(tag) =	ssettag s2;
	_ =	strace s9  }
0x27: {  	s1 =	sld [smem:$0x3FA0]  }
0x28: {  	s2 =	sld [smem:$0x3FA1]  }
0x29: {  	s4 =	sld [smem:$0x3FA3]  }
0x2a: {  	p0 =	seq.s32 s5, $0x0;
	s5 =	sld [smem:$0x3FA4]  }
0x2b: {  	s6 =	sld [smem:$0x3FA5]  }
0x2c: {  	s7 =	sld [smem:$0x3FA6]  }
0x2d: {  	s3 =	simm.s32 $0x108;
	s8 =	sld [smem:$0x3FA7]  }
0x2e: {  	s3 =	simm.s32 @!p0 $0x1082;
	s9 =	sld [smem:$0x3FA8]  }
0x2f: {  	lr =	sadd.s32 s0, s3;
	s0 =	sld [smem:$0x3F9F]  }
0x30: {  	s3 =	sld [smem:$0x3FA2]  }
0x31: {  	[smem:$0x3FAB] =	sst s10  }
0x32: {  	s10 =	sld [smem:$0x3FA9];
	_ =	sdelay $0x3  }
0x33: {  	p0 =	seq.s32 s10, $0x1;
	s10 =	sld [smem:$0x3FAB];
	_ =	sdelay $0x3  }
0x34: {  	[smem:$0x3FAB] =	sst s10  }
0x35: {  	s10 =	sld [smem:$0x3FAA];
	_ =	sdelay $0x3  }
0x36: {  	p1 =	seq.s32 s10, $0x1;
	s10 =	sld [smem:$0x3FAB];
	_ =	sdelay $0x3  }
0x37: {  	[smem:$0x3FAB] =	sst s10  }
0x38: {  	s10 =	sld [smem:$0x3FAC]  }
0x39: {  	_ = 	snop;
	(pc) =	sbr.ind lr, $3  }
0x3a: {  	_ = 	snop  }
0x3b: {  	_ = 	snop  }
0x3c: {  	p2 =	seq.s32 s10, $0x1;
	s10 =	sld [smem:$0x3FAB]  }
0x3d: {  	_ =	shalt  }
0x3e: {  	_ =	shalt  }
0x3f: {  	_ =	shalt  }
0x40: {  	_ =	shalt  }
0x41: {  	_ =	shalt  }
0x42: {  	_ =	shalt  }
0x43: {  	_ =	shalt  }
0x44: {  	_ =	shalt  }
0x45: {  	_ =	shalt  }
0x46: {  	_ =	shalt  }
0x47: {  	_ =	shalt  }
0x48: {  	_ =	shalt  }
0x49: {  	_ =	shalt  }
0x4a: {  	_ =	shalt  }
0x4b: {  	_ =	shalt  }
0x4c: {  	_ =	shalt  }
0x4d: {  	_ =	shalt  }
0x4e: {  	_ =	shalt  }
0x4f: {  	_ =	shalt  }
0x50: {  	_ =	shalt  }
0x51: {  	_ =	shalt  }
0x52: {  	_ =	shalt  }
0x53: {  	_ =	shalt  }
0x54: {  	_ =	shalt  }
0x55: {  	_ =	shalt  }
0x56: {  	_ =	shalt  }
0x57: {  	_ =	shalt  }
0x58: {  	_ =	shalt  }
0x59: {  	_ =	shalt  }
0x5a: {  	_ =	shalt  }
0x5b: {  	_ =	shalt  }
0x5c: {  	_ =	shalt  }
0x5d: {  	_ =	shalt  }
0x5e: {  	_ =	shalt  }
0x5f: {  	_ =	shalt  }
0x60: {  	_ =	shalt  }
0x61: {  	_ =	shalt  }
0x62: {  	_ =	shalt  }
0x63: {  	_ =	shalt  }
0x64: {  	_ =	shalt  }
0x65: {  	_ =	shalt  }
0x66: {  	_ =	shalt  }
0x67: {  	_ =	shalt  }
0x68: {  	_ =	shalt  }
0x69: {  	_ =	shalt  }
0x6a: {  	_ =	shalt  }
0x6b: {  	_ =	shalt  }
0x6c: {  	_ =	shalt  }
0x6d: {  	_ =	shalt  }
0x6e: {  	_ =	shalt  }
0x6f: {  	_ =	shalt  }
0x70: {  	_ =	shalt  }
0x71: {  	_ =	shalt  }
0x72: {  	_ =	shalt  }
0x73: {  	_ =	shalt  }
0x74: {  	_ =	shalt  }
0x75: {  	_ =	shalt  }
0x76: {  	_ =	shalt  }
0x77: {  	_ =	shalt  }
0x78: {  	_ =	shalt  }
0x79: {  	_ =	shalt  }
0x7a: {  	_ =	shalt  }
0x7b: {  	_ =	shalt  }
0x7c: {  	_ =	shalt  }
0x7d: {  	_ =	shalt  }
0x7e: {  	_ =	shalt  }
0x7f: {  	_ =	shalt  }
0x80: {  	_ =	shalt  }
0x81: {  	_ =	shalt  }
0x82: {  	_ =	shalt  }
0x83: {  	_ =	shalt  }
0x84: {  	_ =	shalt  }
0x85: {  	_ =	shalt  }
0x86: {  	_ =	shalt  }
0x87: {  	_ =	shalt  }
.Lfunc_end0:
.L_simem_size_0:
called_computation_lowered:
.L_overlay_start_0:
0x88: {  	s2 =	sld [smem:$0x3FD9]  }
0x89: {  	s3 =	sld [smem:$0x3FFE];
	_ =	sdelay $0x1  }
0x8a: {  	s1 =	srdreg.scid  }
0x8b: {  	s0 =	sand.u32 $0x1, s1  }
0x8c: {  	s14 =	sshll.u32 s0, $0xA;
	s2 =	sadd.s32 s3, s2  }
0x8d: {  	s2 =	sadd.s32 s2, s14  }
0x8e: {  	[smem:$0x3FB7] =	sst s2  }
0x8f: {  	_ = 	snop  }
0x90: {  	s2 =	sld [smem:$0x3FD0];
	_ =	sdelay $0x2  }
0x91: {  	s15 =	simm.s32 $0xA;
	s4 =	simm.s32 $0x10  }
0x92: {  	[smem:s4], [sflag:s15] =	dma.local [hbm:s2], $0x1  }
0x93: {  	_ =	swait.eq [sflag:s15], $0x1  }
0x94: {  	[sflag:s15] =	ssyncset.done $0x0  }
0x95: {  	s16 =	sld [smem:$0x11];
	[sflag:s15] =	ssyncadd.s32 $0xFFFFFFFF  }
0x96: {  	s17 =	sld [smem:$0x15];
	(tm) =	ssettm $0x1  }
0x97: {  	s18 =	sld [smem:$0x3FFB];
	_ =	sdelay $0x3  }
0x98: {  	_ =	strace s18  }
0x99: {  	s4 =	sld [smem:$0x3FFC];
	_ =	sdelay $0x3  }
0x9a: {  	_ =	strace s4  }
0x9b: {  	s4 =	sld [smem:$0x3FFD];
	_ =	sdelay $0x3  }
0x9c: {  	_ =	strace s4  }
0x9d: {  	_ =	strace $0x8FFFFFFF  }
0x9e: {  	s19 =	sld [smem:$0x3FDB];
	_ =	sdelay $0x1  }
0x9f: {  	s5 =	simm.s32 $_scs_section_size  }
0xa0: {  	s6 =	simm.s32 $_size__tile_overlayer_lowered;
	s7 =	simm.s32 $_tile_overlayer_lowered  }
0xa1: {  	s22 =	simm.s32 $0x1BFF;
	s21 =	sshll.u32 s7, $0x1;
	s4 =	sadd.s32 s5, s19  }
0xa2: {  	s8 =	simm.s32 $0x0;
	s20 =	sshll.u32 s6, $0x1;
	s6 =	sadd.s32 s21, s4  }
0xa3: {  	[timem:s8], [sflag:s22] =	dma.local [hbm:s6], s20  }
0xa4: {  	_ =	swait.ge [sflag:s22], s20  }
0xa5: {  	s5 =	ssub.s32 $0x0, s20;
	[sflag:s22] =	ssyncset.done $0x0  }
0xa6: {  	[sflag:s22] =	ssyncadd.s32 s5;
	_ =	sdelay $0x1  }
0xa7: {  	s23 =	simm.s32 $0x1B8B  }
0xa8: {  	_ =	swait.ge [sflag:s23], $0x1  }
0xa9: {  	[sflag:s23] =	ssyncset.done $0x0  }
0xaa: {  	s25 =	simm.s32 $0x1B8E;
	s24 =	sld [smem:$0x3FFE];
	[sflag:s23] =	ssyncadd.s32 $0xFFFFFFFF  }
0xab: {  	s26 =	simm.s32 $execute0_lowered;
	[smem:$0x3FD2] =	sst s25  }
0xac: {  	s6 =	sshll.u32 s26, $0x1;
	_ =	strace $0x80000046;
	[dreg:$0x1] =	wrdreg $0xFFFFFFFF  }
0xad: {  	s28 =	simm.s32 $_size_execute0_lowered;
	s4 =	sadd.s32 s4, s6;
	[dreg:$0x0] =	wrdreg $0x0  }
0xae: {  	s6 =	sshll.u32 s28, $0x1;
	[dreg:$0x2] =	wrdreg s4  }
0xaf: {  	[dreg:$0x3] =	wrdreg s6  }
0xb0: {  	[dreg:$0x4] =	wrdreg $0xC0  }
0xb1: {  	_ =	task [dreg:s8], $0x5FFFF  }
0xb2: {  	[dreg:$0x1] =	wrdreg $0xFFFFFFFF  }
0xb3: {  	[dreg:$0x0] =	wrdreg $0x60  }
0xb4: {  	[dreg:$0x2] =	wrdreg s24  }
0xb5: {  	[dreg:$0x3] =	wrdreg s17  }
0xb6: {  	[dreg:$0x4] =	wrdreg s16  }
0xb7: {  	[dreg:$0x5] =	wrdreg $0x40800  }
0xb8: {  	[dreg:$0x6] =	wrdreg $0x9  }
0xb9: {  	_ =	task.clear_ibuf [dreg:s8], $0x7FFFF;
	_ =	strace $0x90000046  }
0xba: {  	s29 =	simm.s32 $0x9;
	_ =	strace $0x80000048  }
0xbb: {  	_ =	swait.ge [sflag:s29], $0x1  }
0xbc: {  	[sflag:s29] =	ssyncadd.s32 $0xFFFFFFFF  }
0xbd: {  	_ =	strace $0x90000048  }
0xbe: {  	_ =	sfence  }
0xbf: {  	s30 =	sld [smem:$0x0];
	_ =	sdelay $0x2  }
0xc0: {  	s31 =	sshll.u32 s1, $0xD;
	s1 =	sshrl.u32 s1, $0x2  }
0xc1: {  	s3 =	sand.u32 $0x4000, s31;
	s1 =	sadd.s32 s1, s30  }
0xc2: {  	s0 =	sor.u32 s3, s0;
	s1 =	sshll.u32 s1, $0x11  }
0xc3: {  	s0 =	sor.u32 s1, s0  }
0xc4: {  	s0 =	sadd.s32 $0x8F2B, s0  }
0xc5: {  	[sflag:s0] =	ssyncadd.remote.s32 $0x1  }
0xc6: {  	_ =	sfence.sel $0xFFFF  }
0xc7: {  	[dreg:$0x0] =	wrdreg $0xFFFFFFFF;
	(pc) =	sbr.abs _section_cstart, $3  }
0xc8: {  	[dreg:$0x1] =	wrdreg $0xFFFFFFFF  }
0xc9: {  	_ =	task.clear_ibuf [dreg:s8], $0x2FFFF;
	_ =	strace $0x9FFFFFFF  }
0xca: {  	(tm) =	ssettm $0x7FFFFFFF  }
0xcb: {  	_ =	shalt  }
tec
execute0_lowered:
.L_overlay_start_1:
0x0: {  	(tag) =	ssettag $0x1  }
0x1: {  	s5 =	rddreg [dreg:$0x0]  }
0x2: {  	s1 =	rddreg [dreg:$0x1]  }
0x3: {  	s7 =	rddreg [dreg:$0x2]  }
0x4: {  	s3 =	rddreg [dreg:$0x3]  }
0x5: {  	s0 =	rddreg [dreg:$0x4];
	s6 =	srdreg.scid  }
0x6: {  	s4 =	simm.s32 $0x0;
	s2 =	stileid.u32;
	s13 =	simm.s32 $0x0  }
0x7: {  	s6 =	sand.u32 $0x1, s6;
	[smem:$0x7FF] =	sst s4;
	s9 =	smul.u32 $0x280, s2  }
0x8: {  	s10 =	sshll.u32 s2, $0xB;
	s31 =	sshll.u32 s2, $0x6;
	s8 =	ssub.s32 $0x2, s6  }
0x9: {  	s12 =	smul.u32 $0x2800, s6;
	_ =	strace $0x80000047;
	s5 =	sadd.s32 s10, s5  }
0xa: {  	s6 =	sshll.u32 s6, $0xF;
	s10 =	simm.s32 $0x1;
	s11 =	sshrl.u32 s8, $0x1  }
0xb: {  	s30 =	sadd.s32 s9, s3;
	s6 =	sadd.s32 s6, s5;
	s5 =	sor.u32 $0x1C01, s31  }
0xc: {  	s8 =	ssub.s32 s8, s11;
	s9 =	sadd.s32 s9, s12;
	s6 =	sadd.s32 $0x3000, s6  }
0xd: {  	s11 =	simm.s32 $0x50;
	s12 =	simm.s32 $0x4000;
	s9 =	sshrl.u32 s9, $0x3  }
0xe: {  	v0 =	vimm.f32 $1.000000000e+00;
	s8 =	smax.u32 s8, $0x1;
	s7 =	sadd.s32 s7, s9;
	s9 =	sshrl.u32 s30, $0x3  }
.LBB2_1:
0xf: {  	[spmem:s9], [sflag:s5] =	dma.local [hbm:s1], $0x50  }
0x10: {  	_ =	swait.ge [sflag:s10], $0x50  }
0x11: {  	[sflag:s10] =	ssyncset.done $0x0  }
0x12: {  	[sflag:s10] =	ssyncadd.s32 $0xFFFFFFB0  }
0x13: {  	[tilespmem:s4], [sflag:$0x1] =	stream.linear.gather [hbm4b:s6+s4], $0x3E80, $0x38;
	[tilespmem:$0x4300] =	vst v63  }
0x14: {  	_ =	swait.ge [sflag:s10], $0x3E80  }
0x15: {  	[sflag:s10] =	ssyncset.done $0x0  }
0x16: {  	[sflag:s10] =	ssyncadd.s32 $0xFFFFC180  }
0x17: {  	[tilespmem:$0x4000] =	vst v0  }
0x18: {  	[tilespmem:$0x4010] =	vst v0  }
0x19: {  	[tilespmem:$0x4020] =	vst v0  }
0x1a: {  	[tilespmem:$0x4030] =	vst v0  }
0x1b: {  	[tilespmem:$0x4040] =	vst v0  }
0x1c: {  	s14 =	simm.s32 $0x0;
	[bflag:$0x0] =	sbarrier.arrive $0xFFFF  }
0x1d: {  	[spmem:s3] =	stream.indirect.scatter.add.f32 [tilespmem:s12], [sflag:$0x1], $0x1, s14, s11, $0xb8;
	[tilespmem:$0x4300] =	vst v63  }
0x1e: {  	_ =	swait.ge [sflag:s10], $0x50  }
0x1f: {  	s14 =	simm.s32 $0x200;
	[sflag:s10] =	ssyncset.done $0x0  }
.LBB2_2:
0x20: {  	s15 =	sshra.s32 s14, $0x2;
	[sflag:s10] =	ssyncadd.s32 $0xFFFFFFB0;
	p0 =	sne.s32 s14, $0xF800  }
0x21: {  	[spmem:s3] =	stream.indirect.scatter.add.f32 [tilespmem:s12], [sflag:$0x1], $0x1, s15, s11, $0xb8;
	[tilespmem:$0x4300] =	vst v63  }
.Ltmp0:
0x22: {  	_ = 	snop;
	(pc) =	sbr.rel @p0 .LBB2_2-.Ltmp0, $4  }
0x23: {  	_ = 	snop  }
0x24: {  	s14 =	sadd.s32 $0x200, s14  }
0x25: {  	_ =	swait.ge [sflag:s10], $0x50  }
0x26: {  	[sflag:s10] =	ssyncset.done $0x0  }
0x27: {  	s13 =	sadd.s32 $0x1, s13  }
0x28: {  	[sflag:s10] =	ssyncadd.s32 $0xFFFFFFB0;
	p0 =	sne.s32 s13, s8  }
.Ltmp1:
0x29: {  	[bflag:$0x0] =	sbarrier.arrive $0xFFFF;
	(pc) =	sbr.rel @p0 .LBB2_1-.Ltmp1, $4  }
0x2a: {  	[hbm:s7], [sflag:s5] =	dma.local [spmem:s9], $0x50  }
0x2b: {  	_ =	swait.ge [sflag:s10], $0x50  }
0x2c: {  	[sflag:s10] =	ssyncset.done $0x0  }
0x2d: {  	[sflag:s10] =	ssyncadd.s32 $0xFFFFFFB0  }
0x2e: {  	_ =	sfence.sel $0x180000  }
0x2f: {  	[bflag:$0x0] =	sbarrier.arrive $0xFFFF  }
0x30: {  	p0 =	sne.s32 s2, $0x0;
	_ =	strace $0x90000047  }
0x31: {  	s0 =	sadd.s32 @!p0 $0x100000, s0;
	[bflag:$0x2] =	sbarrier.arrive $0xFFFF  }
0x32: {  	[sflag:s0] =	ssyncadd.tile.s32 @!p0 $0x1;
	_ =	shalt  }
.Lfunc_end2:
_tile_overlayer_lowered:
.L_overlay_start_2:
0x33: {  	(tag) =	ssettag $0x2  }
0x34: {  	s0 =	rddreg [dreg:$0x0];
	s2 =	stileid.u32  }
0x35: {  	s1 =	rddreg [dreg:$0x1];
	p0 =	sne.s32 s2, $0x0  }
0x36: {  	s3 =	rddreg [dreg:$0x2];
	[bflag:$0x3] =	sbarrier.arrive $0xFFFF;
	s2 =	simm.s32 @!p0 $0x1C01  }
0x37: {  	[timem:s3], [sflag:s2] =	dma.local @!p0 [hbm:s0], s1  }
0x38: {  	s0 =	simm.s32 @!p0 $0x1  }
0x39: {  	_ =	swait.ge @!p0 [sflag:s0], s1  }
0x3a: {  	s1 =	ssub.s32 @!p0 $0x0, s1;
	[sflag:s0] =	ssyncset.done @!p0 $0x0  }
0x3b: {  	[sflag:s0] =	ssyncadd.s32 @!p0 s1  }
0x3c: {  	[bflag:$0x3] =	sbarrier.arrive $0xFFFF  }
0x3d: {  	_ =	shalt  }

// kernel: kernel.13.cloned.1.call-start
scs
__scs_entry_jumppad:
0x0: {  	(pc) =	sbr.rel $0x88, $3  }
0x1: {  	(tag) =	ssettag $0x0;
	lr =	simm.s32 $0x1  }
0x2: {  	[smem:$0x3F90] =	sst lr;
	_ =	strace $0xD0000000  }
0x3: {  	_ = 	snop  }
0x4: {  	_ = 	snop  }
0x5: {  	_ = 	snop  }
0x6: {  	_ = 	snop  }
0x7: {  	_ = 	snop  }
__scs_overlays_trampoline_lowered:
0x8: {  	[smem:$0x3F9F] =	sst s0  }
0x9: {  	[smem:$0x3FA0] =	sst s1  }
0xa: {  	[smem:$0x3FA1] =	sst s2  }
0xb: {  	[smem:$0x3FA2] =	sst s3  }
0xc: {  	[smem:$0x3FA3] =	sst s4  }
0xd: {  	[smem:$0x3FA4] =	sst s5  }
0xe: {  	[smem:$0x3FA5] =	sst s6  }
0xf: {  	[smem:$0x3FA6] =	sst s7  }
0x10: {  	[smem:$0x3FA7] =	sst s8  }
0x11: {  	[smem:$0x3FA8] =	sst s9;
	s0 =	simm.s32 @!p0 $0x0  }
0x12: {  	s1 =	sld [smem:$0x3F8E];
	s0 =	simm.s32 @p0 $0x1  }
0x13: {  	[smem:$0x3FA9] =	sst s0;
	s0 =	simm.s32 @!p1 $0x0  }
0x14: {  	s2 =	sld [smem:$0x3F8D];
	s0 =	simm.s32 @p1 $0x1  }
0x15: {  	[smem:$0x3FAA] =	sst s0;
	s0 =	simm.s32 @!p2 $0x0  }
0x16: {  	s3 =	sld [smem:$0x3FDB];
	s0 =	simm.s32 @p2 $0x1  }
0x17: {  	s4 =	simm.s32 $0x1BF5;
	[smem:$0x3FAC] =	sst s0  }
0x18: {  	s0 =	sld [smem:$0x3F8F];
	_ =	swait.ge [sflag:s4], $0x0  }
0x19: {  	s7 =	sld [smem:$0x3F90]  }
0x1a: {  	s8 =	sadd.s32 $0xFFFFE003, lr  }
0x1b: {  	s9 =	sadd.s32 $0xFFFFFEF7, lr;
	s5 =	simm.s32 $0xFFFFFFFF;
	p2 =	slt.u32 s8, $0xFFFFF086  }
0x1c: {  	p1 =	slt.u32 s9, $0xF7A;
	s5 =	simm.s32 @!p2 $0x0  }
0x1d: {  	s5 =	simm.s32 @p1 $0x1;
	p0 =	seq.s32 s7, s2  }
0x1e: {  	s7 =	smul.u32 @!p0 $0xF7A, s2;
	p2 =	seq.s32 @!p0 s5, $0x0  }
0x1f: {  	s9 =	smul.u32 $0xF7A, s1;
	s8 =	simm.s32 @!p0 $0x1BF5;
	p2 =	por !p2, p0  }
0x20: {  	[sflag:s8] =	ssyncset.s32 @!p0 $0xFFFFF086;
	s6 =	sadd.s32 @!p0 s3, s7;
	s7 =	simm.s32 @!p0 $0x108  }
0x21: {  	s3 =	sadd.s32 s3, s9;
	s6 =	sadd.s32 @!p0 $0x88, s6;
	s7 =	simm.s32 @p2 $0x1082  }
0x22: {  	[simem:s7], [sflag:s8] =	dma.local @!p0 [hbm:s6], $0xF7A  }
0x23: {  	s9 =	sor.u32 $0xD0000000, s2;
	s6 =	simm.s32 $0x108;
	_ =	swait.ge @!p0 [sflag:s8], $0x0  }
0x24: {  	s3 =	sadd.s32 $0x88, s3;
	s6 =	simm.s32 @!p1 $0x1082;
	[sflag:s4] =	ssyncset.s32 $0xFFFFF086  }
0x25: {  	[simem:s6], [sflag:s4] =	dma.local [hbm:s3], $0xF7A  }
0x26: {  	[smem:$0x3F90] =	sst s1;
	(tag) =	ssettag s2;
	_ =	strace s9  }
0x27: {  	s1 =	sld [smem:$0x3FA0]  }
0x28: {  	s2 =	sld [smem:$0x3FA1]  }
0x29: {  	s4 =	sld [smem:$0x3FA3]  }
0x2a: {  	p0 =	seq.s32 s5, $0x0;
	s5 =	sld [smem:$0x3FA4]  }
0x2b: {  	s6 =	sld [smem:$0x3FA5]  }
0x2c: {  	s7 =	sld [smem:$0x3FA6]  }
0x2d: {  	s3 =	simm.s32 $0x108;
	s8 =	sld [smem:$0x3FA7]  }
0x2e: {  	s3 =	simm.s32 @!p0 $0x1082;
	s9 =	sld [smem:$0x3FA8]  }
0x2f: {  	lr =	sadd.s32 s0, s3;
	s0 =	sld [smem:$0x3F9F]  }
0x30: {  	s3 =	sld [smem:$0x3FA2]  }
0x31: {  	[smem:$0x3FAB] =	sst s10  }
0x32: {  	s10 =	sld [smem:$0x3FA9];
	_ =	sdelay $0x3  }
0x33: {  	p0 =	seq.s32 s10, $0x1;
	s10 =	sld [smem:$0x3FAB];
	_ =	sdelay $0x3  }
0x34: {  	[smem:$0x3FAB] =	sst s10  }
0x35: {  	s10 =	sld [smem:$0x3FAA];
	_ =	sdelay $0x3  }
0x36: {  	p1 =	seq.s32 s10, $0x1;
	s10 =	sld [smem:$0x3FAB];
	_ =	sdelay $0x3  }
0x37: {  	[smem:$0x3FAB] =	sst s10  }
0x38: {  	s10 =	sld [smem:$0x3FAC]  }
0x39: {  	_ = 	snop;
	(pc) =	sbr.ind lr, $3  }
0x3a: {  	_ = 	snop  }
0x3b: {  	_ = 	snop  }
0x3c: {  	p2 =	seq.s32 s10, $0x1;
	s10 =	sld [smem:$0x3FAB]  }
0x3d: {  	_ =	shalt  }
0x3e: {  	_ =	shalt  }
0x3f: {  	_ =	shalt  }
0x40: {  	_ =	shalt  }
0x41: {  	_ =	shalt  }
0x42: {  	_ =	shalt  }
0x43: {  	_ =	shalt  }
0x44: {  	_ =	shalt  }
0x45: {  	_ =	shalt  }
0x46: {  	_ =	shalt  }
0x47: {  	_ =	shalt  }
0x48: {  	_ =	shalt  }
0x49: {  	_ =	shalt  }
0x4a: {  	_ =	shalt  }
0x4b: {  	_ =	shalt  }
0x4c: {  	_ =	shalt  }
0x4d: {  	_ =	shalt  }
0x4e: {  	_ =	shalt  }
0x4f: {  	_ =	shalt  }
0x50: {  	_ =	shalt  }
0x51: {  	_ =	shalt  }
0x52: {  	_ =	shalt  }
0x53: {  	_ =	shalt  }
0x54: {  	_ =	shalt  }
0x55: {  	_ =	shalt  }
0x56: {  	_ =	shalt  }
0x57: {  	_ =	shalt  }
0x58: {  	_ =	shalt  }
0x59: {  	_ =	shalt  }
0x5a: {  	_ =	shalt  }
0x5b: {  	_ =	shalt  }
0x5c: {  	_ =	shalt  }
0x5d: {  	_ =	shalt  }
0x5e: {  	_ =	shalt  }
0x5f: {  	_ =	shalt  }
0x60: {  	_ =	shalt  }
0x61: {  	_ =	shalt  }
0x62: {  	_ =	shalt  }
0x63: {  	_ =	shalt  }
0x64: {  	_ =	shalt  }
0x65: {  	_ =	shalt  }
0x66: {  	_ =	shalt  }
0x67: {  	_ =	shalt  }
0x68: {  	_ =	shalt  }
0x69: {  	_ =	shalt  }
0x6a: {  	_ =	shalt  }
0x6b: {  	_ =	shalt  }
0x6c: {  	_ =	shalt  }
0x6d: {  	_ =	shalt  }
0x6e: {  	_ =	shalt  }
0x6f: {  	_ =	shalt  }
0x70: {  	_ =	shalt  }
0x71: {  	_ =	shalt  }
0x72: {  	_ =	shalt  }
0x73: {  	_ =	shalt  }
0x74: {  	_ =	shalt  }
0x75: {  	_ =	shalt  }
0x76: {  	_ =	shalt  }
0x77: {  	_ =	shalt  }
0x78: {  	_ =	shalt  }
0x79: {  	_ =	shalt  }
0x7a: {  	_ =	shalt  }
0x7b: {  	_ =	shalt  }
0x7c: {  	_ =	shalt  }
0x7d: {  	_ =	shalt  }
0x7e: {  	_ =	shalt  }
0x7f: {  	_ =	shalt  }
0x80: {  	_ =	shalt  }
0x81: {  	_ =	shalt  }
0x82: {  	_ =	shalt  }
0x83: {  	_ =	shalt  }
0x84: {  	_ =	shalt  }
0x85: {  	_ =	shalt  }
0x86: {  	_ =	shalt  }
0x87: {  	_ =	shalt  }
.Lfunc_end0:
.L_simem_size_0:
called_computation.1_lowered:
.L_overlay_start_0:
0x88: {  	s2 =	sld [smem:$0x3FD9]  }
0x89: {  	s3 =	sld [smem:$0x3FFE];
	_ =	sdelay $0x1  }
0x8a: {  	s1 =	srdreg.scid  }
0x8b: {  	s0 =	sand.u32 $0x1, s1  }
0x8c: {  	s14 =	sshll.u32 s0, $0xA;
	s2 =	sadd.s32 s3, s2  }
0x8d: {  	s2 =	sadd.s32 s2, s14  }
0x8e: {  	[smem:$0x3FB7] =	sst s2  }
0x8f: {  	_ = 	snop  }
0x90: {  	s2 =	sld [smem:$0x3FD0];
	_ =	sdelay $0x2  }
0x91: {  	s15 =	simm.s32 $0xA;
	s4 =	simm.s32 $0x10  }
0x92: {  	[smem:s4], [sflag:s15] =	dma.local [hbm:s2], $0x1  }
0x93: {  	_ =	swait.eq [sflag:s15], $0x1  }
0x94: {  	[sflag:s15] =	ssyncset.done $0x0  }
0x95: {  	[sflag:s15] =	ssyncadd.s32 $0xFFFFFFFF  }
0x96: {  	s16 =	sld [smem:$0x11];
	(tm) =	ssettm $0x1  }
0x97: {  	s17 =	sld [smem:$0x3FFB];
	_ =	sdelay $0x3  }
0x98: {  	_ =	strace s17  }
0x99: {  	s3 =	sld [smem:$0x3FFC];
	_ =	sdelay $0x3  }
0x9a: {  	_ =	strace s3  }
0x9b: {  	s3 =	sld [smem:$0x3FFD];
	_ =	sdelay $0x3  }
0x9c: {  	_ =	strace s3  }
0x9d: {  	_ =	strace $0x8FFFFFFF  }
0x9e: {  	s18 =	sld [smem:$0x3FDB];
	_ =	sdelay $0x1  }
0x9f: {  	s19 =	simm.s32 $_scs_section_size  }
0xa0: {  	s5 =	simm.s32 $_size__tile_overlayer_lowered;
	s6 =	simm.s32 $_tile_overlayer_lowered  }
0xa1: {  	s22 =	simm.s32 $0x1BFF;
	s21 =	sshll.u32 s6, $0x1;
	s3 =	sadd.s32 s19, s18  }
0xa2: {  	s7 =	simm.s32 $0x0;
	s20 =	sshll.u32 s5, $0x1;
	s5 =	sadd.s32 s21, s3  }
0xa3: {  	[timem:s7], [sflag:s22] =	dma.local [hbm:s5], s20  }
0xa4: {  	_ =	swait.ge [sflag:s22], s20  }
0xa5: {  	s4 =	ssub.s32 $0x0, s20;
	[sflag:s22] =	ssyncset.done $0x0  }
0xa6: {  	[sflag:s22] =	ssyncadd.s32 s4;
	_ =	sdelay $0x1  }
0xa7: {  	s23 =	simm.s32 $0x1B8B  }
0xa8: {  	_ =	swait.ge [sflag:s23], $0x1  }
0xa9: {  	[sflag:s23] =	ssyncset.done $0x0  }
0xaa: {  	s25 =	simm.s32 $0x1B8E;
	s24 =	sld [smem:$0x3FFE];
	[sflag:s23] =	ssyncadd.s32 $0xFFFFFFFF  }
0xab: {  	s26 =	simm.s32 $execute0_lowered;
	[smem:$0x3FD2] =	sst s25  }
0xac: {  	s5 =	sshll.u32 s26, $0x1;
	_ =	strace $0x80000049;
	[dreg:$0x1] =	wrdreg $0xFFFFFFFF  }
0xad: {  	s28 =	simm.s32 $_size_execute0_lowered;
	s3 =	sadd.s32 s3, s5;
	[dreg:$0x0] =	wrdreg $0x0  }
0xae: {  	s5 =	sshll.u32 s28, $0x1;
	[dreg:$0x2] =	wrdreg s3  }
0xaf: {  	[dreg:$0x3] =	wrdreg s5  }
0xb0: {  	[dreg:$0x4] =	wrdreg $0xC0  }
0xb1: {  	_ =	task [dreg:s7], $0x5FFFF  }
0xb2: {  	[dreg:$0x1] =	wrdreg $0xFFFFFFFF  }
0xb3: {  	[dreg:$0x0] =	wrdreg $0x60  }
0xb4: {  	[dreg:$0x2] =	wrdreg s24  }
0xb5: {  	[dreg:$0x3] =	wrdreg s16  }
0xb6: {  	[dreg:$0x4] =	wrdreg $0x51000  }
0xb7: {  	[dreg:$0x5] =	wrdreg $0x191000  }
0xb8: {  	[dreg:$0x6] =	wrdreg $0x9  }
0xb9: {  	_ =	task.clear_ibuf [dreg:s7], $0x7FFFF;
	_ =	strace $0x90000049  }
0xba: {  	s29 =	simm.s32 $0x9;
	_ =	strace $0x8000004B  }
0xbb: {  	_ =	swait.ge [sflag:s29], $0x1  }
0xbc: {  	[sflag:s29] =	ssyncadd.s32 $0xFFFFFFFF  }
0xbd: {  	_ =	strace $0x9000004B  }
0xbe: {  	_ =	sfence  }
0xbf: {  	s30 =	sld [smem:$0x0];
	_ =	sdelay $0x2  }
0xc0: {  	s31 =	sshll.u32 s1, $0xD;
	s1 =	sshrl.u32 s1, $0x2  }
0xc1: {  	s3 =	sand.u32 $0x4000, s31;
	s1 =	sadd.s32 s1, s30  }
0xc2: {  	s0 =	sor.u32 s3, s0;
	s1 =	sshll.u32 s1, $0x11  }
0xc3: {  	s0 =	sor.u32 s1, s0  }
0xc4: {  	s0 =	sadd.s32 $0x8F2B, s0  }
0xc5: {  	[sflag:s0] =	ssyncadd.remote.s32 $0x1  }
0xc6: {  	_ =	sfence.sel $0xFFFF  }
0xc7: {  	[dreg:$0x0] =	wrdreg $0xFFFFFFFF;
	(pc) =	sbr.abs _section_cstart, $3  }
0xc8: {  	[dreg:$0x1] =	wrdreg $0xFFFFFFFF  }
0xc9: {  	_ =	task.clear_ibuf [dreg:s7], $0x2FFFF;
	_ =	strace $0x9FFFFFFF  }
0xca: {  	(tm) =	ssettm $0x7FFFFFFF  }
0xcb: {  	_ =	shalt  }
tec
execute0_lowered:
.L_overlay_start_1:
0x0: {  	(tag) =	ssettag $0x1  }
0x1: {  	s5 =	rddreg [dreg:$0x0]  }
0x2: {  	s1 =	rddreg [dreg:$0x1]  }
0x3: {  	s6 =	rddreg [dreg:$0x2]  }
0x4: {  	s3 =	rddreg [dreg:$0x3]  }
0x5: {  	s0 =	srdreg.scid;
	s2 =	rddreg [dreg:$0x4];
	s4 =	simm.s32 $0x0  }
0x6: {  	s13 =	simm.s32 $0x80;
	s14 =	simm.s32 $0x2900;
	s15 =	simm.s32 $0x1  }
0x7: {  	s16 =	simm.s32 $0x2;
	s7 =	sand.u32 $0x1, s0;
	s0 =	stileid.u32  }
0x8: {  	s17 =	simm.s32 $0x0;
	[smem:$0x7FF] =	sst s4;
	s8 =	smul.u32 $0x140000, s7  }
0x9: {  	s9 =	sshll.u32 s7, $0x4;
	s10 =	smul.u32 $0x14000, s0;
	_ =	strace $0x8000004A  }
0xa: {  	s30 =	smul.u32 $0x50000, s0;
	s31 =	ssub.s32 $0x2, s7;
	s9 =	sor.u32 s0, s9  }
0xb: {  	s11 =	sshll.u32 s0, $0x6;
	s7 =	sshrl.u32 s31, $0x1;
	s9 =	smul.u32 $0xFA0, s9  }
0xc: {  	s8 =	sadd.s32 s10, s8;
	s10 =	sshrl.u32 s30, $0x2;
	s12 =	ssub.s32 s31, s7  }
0xd: {  	s8 =	sshrl.u32 s8, $0x3;
	s10 =	sadd.s32 s10, s6;
	s9 =	sadd.s32 s9, s5  }
0xe: {  	s8 =	sadd.s32 s8, s5;
	s5 =	sor.u32 $0x1C03, s11;
	s11 =	simm.s32 $0x50  }
0xf: {  	s6 =	sadd.s32 $0x13000, s9;
	s7 =	sadd.s32 $0x59600, s8;
	s8 =	smax.u32 s12, $0x1  }
0x10: {  	s9 =	sshrl.u32 s10, $0x3;
	s10 =	simm.s32 $0x3;
	s12 =	simm.s32 $0x100  }
.LBB2_1:
0x11: {  	[spmem:s9], [sflag:s5] =	dma.local [hbm:s1], $0x2800  }
0x12: {  	_ =	swait.ge [sflag:s10], $0x2800  }
0x13: {  	[sflag:s10] =	ssyncset.done $0x0  }
0x14: {  	[sflag:s10] =	ssyncadd.s32 $0xFFFFD800  }
0x15: {  	[tilespmem:s4], [sflag:$0x3] =	stream.linear.gather [hbm4b:s6+s4], $0x100, $0x38;
	[tilespmem:$0x1E100] =	vst v63  }
0x16: {  	_ =	swait.ge [sflag:s10], $0x100  }
0x17: {  	[sflag:s10] =	ssyncset.done $0x0  }
0x18: {  	[sflag:s10] =	ssyncadd.s32 $0xFFFFFF00  }
0x19: {  	[bflag:$0x0] =	sbarrier.arrive $0xFFFF  }
0x1a: {  	[tilespmem:s12], [sflag:$0x1] =	stream.indirect.gather [spmem:s3], $0x20, s4, s11, $0xb8;
	[tilespmem:$0x1E100] =	vst v63  }
0x1b: {  	_ = 	snop  }
0x1c: {  	[spmem:s3] =	stream.indirect.scatter.add.f32 [tilespmem:s14], [sflag:$0x2], $0x20, s13, s11, $0xb8;
	[tilespmem:$0x1E100] =	vst v63  }
0x1d: {  	s18 =	simm.s32 $0x7C  }
0x1e: {  	[tilespmem:s12], [sflag:$0x1] =	stream.indirect.gather [spmem:s3], $0x20, s4, s11, $0xb8;
	[tilespmem:$0x1E100] =	vst v63  }
.LBB2_2:
0x1f: {  	[spmem:s3] =	stream.indirect.scatter.add.f32 [tilespmem:s14], [sflag:$0x2], $0x20, s13, s11, $0xb8;
	[tilespmem:$0x1E100] =	vst v63  }
0x20: {  	p0 =	sne.s32 s18, $0x1;
	s18 =	sadd.s32 $0xFFFFFFFF, s18  }
0x21: {  	[tilespmem:s12], [sflag:$0x1] =	stream.indirect.gather [spmem:s3], $0x20, s4, s11, $0xb8;
	[tilespmem:$0x1E100] =	vst v63  }
.Ltmp0:
0x22: {  	_ = 	snop;
	(pc) =	sbr.rel @p0 .LBB2_2-.Ltmp0, $4  }
0x23: {  	_ = 	snop  }
0x24: {  	[spmem:s3] =	stream.indirect.scatter.add.f32 [tilespmem:s14], [sflag:$0x2], $0x20, s13, s11, $0xb8;
	[tilespmem:$0x1E100] =	vst v63  }
0x25: {  	_ = 	snop  }
0x26: {  	[tilespmem:s12], [sflag:$0x1] =	stream.indirect.gather [spmem:s3], $0x20, s4, s11, $0xb8;
	[tilespmem:$0x1E100] =	vst v63  }
0x27: {  	[spmem:s3] =	stream.indirect.scatter.add.f32 [tilespmem:s14], [sflag:$0x2], $0x20, s13, s11, $0xb8;
	[tilespmem:$0x1E100] =	vst v63  }
0x28: {  	_ =	swait.ge [sflag:s15], $0xA00  }
0x29: {  	[sflag:s15] =	ssyncset.done $0x0  }
0x2a: {  	[sflag:s15] =	ssyncadd.s32 $0xFFFFF600  }
0x2b: {  	_ =	swait.ge [sflag:s16], $0xA00  }
0x2c: {  	[sflag:s16] =	ssyncset.done $0x0  }
0x2d: {  	[sflag:s16] =	ssyncadd.s32 $0xFFFFF600  }
0x2e: {  	_ =	swait.ge [sflag:s15], $0xA00  }
0x2f: {  	[sflag:s15] =	ssyncset.done $0x0  }
0x30: {  	[sflag:s15] =	ssyncadd.s32 $0xFFFFF600  }
0x31: {  	_ =	swait.ge [sflag:s16], $0xA00  }
0x32: {  	s18 =	simm.s32 $0x7C;
	[sflag:s16] =	ssyncset.done $0x0  }
.LBB2_4:
0x33: {  	p0 =	sne.s32 s18, $0x1;
	s18 =	sadd.s32 $0xFFFFFFFF, s18;
	[sflag:s16] =	ssyncadd.s32 $0xFFFFF600  }
0x34: {  	_ =	swait.ge [sflag:s15], $0xA00  }
0x35: {  	[sflag:s15] =	ssyncset.done $0x0  }
0x36: {  	[sflag:s15] =	ssyncadd.s32 $0xFFFFF600  }
0x37: {  	_ =	swait.ge [sflag:s16], $0xA00  }
0x38: {  	[sflag:s16] =	ssyncset.done $0x0  }
0x39: {  	[sflag:s16] =	ssyncadd.s32 $0xFFFFF600  }
.Ltmp1:
0x3a: {  	_ =	swait.ge [sflag:s15], $0xA00;
	(pc) =	sbr.rel @p0 .LBB2_4-.Ltmp1, $4  }
0x3b: {  	[sflag:s15] =	ssyncset.done $0x0  }
0x3c: {  	[sflag:s15] =	ssyncadd.s32 $0xFFFFF600  }
0x3d: {  	_ =	swait.ge [sflag:s16], $0xA00  }
0x3e: {  	[sflag:s16] =	ssyncset.done $0x0  }
0x3f: {  	s17 =	sadd.s32 $0x1, s17  }
0x40: {  	[sflag:s16] =	ssyncadd.s32 $0xFFFFF600;
	p0 =	sne.s32 s17, s8  }
.Ltmp2:
0x41: {  	[bflag:$0x0] =	sbarrier.arrive $0xFFFF;
	(pc) =	sbr.rel @p0 .LBB2_1-.Ltmp2, $4  }
0x42: {  	[hbm:s7], [sflag:s5] =	dma.local [spmem:s9], $0x2800  }
0x43: {  	_ =	swait.ge [sflag:s10], $0x2800  }
0x44: {  	[sflag:s10] =	ssyncset.done $0x0  }
0x45: {  	[sflag:s10] =	ssyncadd.s32 $0xFFFFD800  }
0x46: {  	_ =	sfence.sel $0x180000  }
0x47: {  	[bflag:$0x0] =	sbarrier.arrive $0xFFFF  }
0x48: {  	p0 =	sne.s32 s0, $0x0;
	_ =	strace $0x9000004A  }
0x49: {  	s0 =	sadd.s32 @!p0 $0x100000, s2;
	[bflag:$0x2] =	sbarrier.arrive $0xFFFF  }
0x4a: {  	[sflag:s0] =	ssyncadd.tile.s32 @!p0 $0x1;
	_ =	shalt  }
.Lfunc_end2:
_tile_overlayer_lowered:
.L_overlay_start_2:
0x4b: {  	(tag) =	ssettag $0x2  }
0x4c: {  	s0 =	rddreg [dreg:$0x0];
	s2 =	stileid.u32  }
0x4d: {  	s1 =	rddreg [dreg:$0x1];
	p0 =	sne.s32 s2, $0x0  }
0x4e: {  	s3 =	rddreg [dreg:$0x2];
	[bflag:$0x3] =	sbarrier.arrive $0xFFFF;
	s2 =	simm.s32 @!p0 $0x1C03  }
0x4f: {  	[timem:s3], [sflag:s2] =	dma.local @!p0 [hbm:s0], s1  }
0x50: {  	s0 =	simm.s32 @!p0 $0x3  }
0x51: {  	_ =	swait.ge @!p0 [sflag:s0], s1  }
0x52: {  	s1 =	ssub.s32 @!p0 $0x0, s1;
	[sflag:s0] =	ssyncset.done @!p0 $0x0  }
0x53: {  	[sflag:s0] =	ssyncadd.s32 @!p0 s1  }
0x54: {  	[bflag:$0x3] =	sbarrier.arrive $0xFFFF  }
0x55: {  	_ =	shalt  }

// kernel: kernel.16.cloned.1.call-start
scs
__scs_entry_jumppad:
0x0: {  	(pc) =	sbr.rel $0x88, $3  }
0x1: {  	(tag) =	ssettag $0x0;
	lr =	simm.s32 $0x1  }
0x2: {  	[smem:$0x3F90] =	sst lr;
	_ =	strace $0xD0000000  }
0x3: {  	_ = 	snop  }
0x4: {  	_ = 	snop  }
0x5: {  	_ = 	snop  }
0x6: {  	_ = 	snop  }
0x7: {  	_ = 	snop  }
__scs_overlays_trampoline_lowered:
0x8: {  	[smem:$0x3F9F] =	sst s0  }
0x9: {  	[smem:$0x3FA0] =	sst s1  }
0xa: {  	[smem:$0x3FA1] =	sst s2  }
0xb: {  	[smem:$0x3FA2] =	sst s3  }
0xc: {  	[smem:$0x3FA3] =	sst s4  }
0xd: {  	[smem:$0x3FA4] =	sst s5  }
0xe: {  	[smem:$0x3FA5] =	sst s6  }
0xf: {  	[smem:$0x3FA6] =	sst s7  }
0x10: {  	[smem:$0x3FA7] =	sst s8  }
0x11: {  	[smem:$0x3FA8] =	sst s9;
	s0 =	simm.s32 @!p0 $0x0  }
0x12: {  	s1 =	sld [smem:$0x3F8E];
	s0 =	simm.s32 @p0 $0x1  }
0x13: {  	[smem:$0x3FA9] =	sst s0;
	s0 =	simm.s32 @!p1 $0x0  }
0x14: {  	s2 =	sld [smem:$0x3F8D];
	s0 =	simm.s32 @p1 $0x1  }
0x15: {  	[smem:$0x3FAA] =	sst s0;
	s0 =	simm.s32 @!p2 $0x0  }
0x16: {  	s3 =	sld [smem:$0x3FDB];
	s0 =	simm.s32 @p2 $0x1  }
0x17: {  	s4 =	simm.s32 $0x1BF5;
	[smem:$0x3FAC] =	sst s0  }
0x18: {  	s0 =	sld [smem:$0x3F8F];
	_ =	swait.ge [sflag:s4], $0x0  }
0x19: {  	s7 =	sld [smem:$0x3F90]  }
0x1a: {  	s8 =	sadd.s32 $0xFFFFE003, lr  }
0x1b: {  	s9 =	sadd.s32 $0xFFFFFEF7, lr;
	s5 =	simm.s32 $0xFFFFFFFF;
	p2 =	slt.u32 s8, $0xFFFFF086  }
0x1c: {  	p1 =	slt.u32 s9, $0xF7A;
	s5 =	simm.s32 @!p2 $0x0  }
0x1d: {  	s5 =	simm.s32 @p1 $0x1;
	p0 =	seq.s32 s7, s2  }
0x1e: {  	s7 =	smul.u32 @!p0 $0xF7A, s2;
	p2 =	seq.s32 @!p0 s5, $0x0  }
0x1f: {  	s9 =	smul.u32 $0xF7A, s1;
	s8 =	simm.s32 @!p0 $0x1BF5;
	p2 =	por !p2, p0  }
0x20: {  	[sflag:s8] =	ssyncset.s32 @!p0 $0xFFFFF086;
	s6 =	sadd.s32 @!p0 s3, s7;
	s7 =	simm.s32 @!p0 $0x108  }
0x21: {  	s3 =	sadd.s32 s3, s9;
	s6 =	sadd.s32 @!p0 $0x88, s6;
	s7 =	simm.s32 @p2 $0x1082  }
0x22: {  	[simem:s7], [sflag:s8] =	dma.local @!p0 [hbm:s6], $0xF7A  }
0x23: {  	s9 =	sor.u32 $0xD0000000, s2;
	s6 =	simm.s32 $0x108;
	_ =	swait.ge @!p0 [sflag:s8], $0x0  }
0x24: {  	s3 =	sadd.s32 $0x88, s3;
	s6 =	simm.s32 @!p1 $0x1082;
	[sflag:s4] =	ssyncset.s32 $0xFFFFF086  }
0x25: {  	[simem:s6], [sflag:s4] =	dma.local [hbm:s3], $0xF7A  }
0x26: {  	[smem:$0x3F90] =	sst s1;
	(tag) =	ssettag s2;
	_ =	strace s9  }
0x27: {  	s1 =	sld [smem:$0x3FA0]  }
0x28: {  	s2 =	sld [smem:$0x3FA1]  }
0x29: {  	s4 =	sld [smem:$0x3FA3]  }
0x2a: {  	p0 =	seq.s32 s5, $0x0;
	s5 =	sld [smem:$0x3FA4]  }
0x2b: {  	s6 =	sld [smem:$0x3FA5]  }
0x2c: {  	s7 =	sld [smem:$0x3FA6]  }
0x2d: {  	s3 =	simm.s32 $0x108;
	s8 =	sld [smem:$0x3FA7]  }
0x2e: {  	s3 =	simm.s32 @!p0 $0x1082;
	s9 =	sld [smem:$0x3FA8]  }
0x2f: {  	lr =	sadd.s32 s0, s3;
	s0 =	sld [smem:$0x3F9F]  }
0x30: {  	s3 =	sld [smem:$0x3FA2]  }
0x31: {  	[smem:$0x3FAB] =	sst s10  }
0x32: {  	s10 =	sld [smem:$0x3FA9];
	_ =	sdelay $0x3  }
0x33: {  	p0 =	seq.s32 s10, $0x1;
	s10 =	sld [smem:$0x3FAB];
	_ =	sdelay $0x3  }
0x34: {  	[smem:$0x3FAB] =	sst s10  }
0x35: {  	s10 =	sld [smem:$0x3FAA];
	_ =	sdelay $0x3  }
0x36: {  	p1 =	seq.s32 s10, $0x1;
	s10 =	sld [smem:$0x3FAB];
	_ =	sdelay $0x3  }
0x37: {  	[smem:$0x3FAB] =	sst s10  }
0x38: {  	s10 =	sld [smem:$0x3FAC]  }
0x39: {  	_ = 	snop;
	(pc) =	sbr.ind lr, $3  }
0x3a: {  	_ = 	snop  }
0x3b: {  	_ = 	snop  }
0x3c: {  	p2 =	seq.s32 s10, $0x1;
	s10 =	sld [smem:$0x3FAB]  }
0x3d: {  	_ =	shalt  }
0x3e: {  	_ =	shalt  }
0x3f: {  	_ =	shalt  }
0x40: {  	_ =	shalt  }
0x41: {  	_ =	shalt  }
0x42: {  	_ =	shalt  }
0x43: {  	_ =	shalt  }
0x44: {  	_ =	shalt  }
0x45: {  	_ =	shalt  }
0x46: {  	_ =	shalt  }
0x47: {  	_ =	shalt  }
0x48: {  	_ =	shalt  }
0x49: {  	_ =	shalt  }
0x4a: {  	_ =	shalt  }
0x4b: {  	_ =	shalt  }
0x4c: {  	_ =	shalt  }
0x4d: {  	_ =	shalt  }
0x4e: {  	_ =	shalt  }
0x4f: {  	_ =	shalt  }
0x50: {  	_ =	shalt  }
0x51: {  	_ =	shalt  }
0x52: {  	_ =	shalt  }
0x53: {  	_ =	shalt  }
0x54: {  	_ =	shalt  }
0x55: {  	_ =	shalt  }
0x56: {  	_ =	shalt  }
0x57: {  	_ =	shalt  }
0x58: {  	_ =	shalt  }
0x59: {  	_ =	shalt  }
0x5a: {  	_ =	shalt  }
0x5b: {  	_ =	shalt  }
0x5c: {  	_ =	shalt  }
0x5d: {  	_ =	shalt  }
0x5e: {  	_ =	shalt  }
0x5f: {  	_ =	shalt  }
0x60: {  	_ =	shalt  }
0x61: {  	_ =	shalt  }
0x62: {  	_ =	shalt  }
0x63: {  	_ =	shalt  }
0x64: {  	_ =	shalt  }
0x65: {  	_ =	shalt  }
0x66: {  	_ =	shalt  }
0x67: {  	_ =	shalt  }
0x68: {  	_ =	shalt  }
0x69: {  	_ =	shalt  }
0x6a: {  	_ =	shalt  }
0x6b: {  	_ =	shalt  }
0x6c: {  	_ =	shalt  }
0x6d: {  	_ =	shalt  }
0x6e: {  	_ =	shalt  }
0x6f: {  	_ =	shalt  }
0x70: {  	_ =	shalt  }
0x71: {  	_ =	shalt  }
0x72: {  	_ =	shalt  }
0x73: {  	_ =	shalt  }
0x74: {  	_ =	shalt  }
0x75: {  	_ =	shalt  }
0x76: {  	_ =	shalt  }
0x77: {  	_ =	shalt  }
0x78: {  	_ =	shalt  }
0x79: {  	_ =	shalt  }
0x7a: {  	_ =	shalt  }
0x7b: {  	_ =	shalt  }
0x7c: {  	_ =	shalt  }
0x7d: {  	_ =	shalt  }
0x7e: {  	_ =	shalt  }
0x7f: {  	_ =	shalt  }
0x80: {  	_ =	shalt  }
0x81: {  	_ =	shalt  }
0x82: {  	_ =	shalt  }
0x83: {  	_ =	shalt  }
0x84: {  	_ =	shalt  }
0x85: {  	_ =	shalt  }
0x86: {  	_ =	shalt  }
0x87: {  	_ =	shalt  }
.Lfunc_end0:
.L_simem_size_0:
called_computation.2_lowered:
.L_overlay_start_0:
0x88: {  	s2 =	sld [smem:$0x3FD9]  }
0x89: {  	s3 =	sld [smem:$0x3FFE];
	_ =	sdelay $0x1  }
0x8a: {  	s1 =	srdreg.scid  }
0x8b: {  	s0 =	sand.u32 $0x1, s1  }
0x8c: {  	s14 =	sshll.u32 s0, $0xA;
	s2 =	sadd.s32 s3, s2  }
0x8d: {  	s2 =	sadd.s32 s2, s14  }
0x8e: {  	[smem:$0x3FB7] =	sst s2  }
0x8f: {  	_ = 	snop  }
0x90: {  	s2 =	sld [smem:$0x3FD0];
	_ =	sdelay $0x2  }
0x91: {  	s15 =	simm.s32 $0xA;
	s4 =	simm.s32 $0x10  }
0x92: {  	[smem:s4], [sflag:s15] =	dma.local [hbm:s2], $0x1  }
0x93: {  	_ =	swait.eq [sflag:s15], $0x1  }
0x94: {  	[sflag:s15] =	ssyncset.done $0x0  }
0x95: {  	[sflag:s15] =	ssyncadd.s32 $0xFFFFFFFF  }
0x96: {  	s16 =	sld [smem:$0x11];
	(tm) =	ssettm $0x1  }
0x97: {  	s17 =	sld [smem:$0x3FFB];
	_ =	sdelay $0x3  }
0x98: {  	_ =	strace s17  }
0x99: {  	s3 =	sld [smem:$0x3FFC];
	_ =	sdelay $0x3  }
0x9a: {  	_ =	strace s3  }
0x9b: {  	s3 =	sld [smem:$0x3FFD];
	_ =	sdelay $0x3  }
0x9c: {  	_ =	strace s3  }
0x9d: {  	_ =	strace $0x8FFFFFFF  }
0x9e: {  	s18 =	sld [smem:$0x3FDB];
	_ =	sdelay $0x1  }
0x9f: {  	s19 =	simm.s32 $_scs_section_size  }
0xa0: {  	s5 =	simm.s32 $_size__tile_overlayer_lowered;
	s6 =	simm.s32 $_tile_overlayer_lowered  }
0xa1: {  	s22 =	simm.s32 $0x1BFF;
	s21 =	sshll.u32 s6, $0x1;
	s3 =	sadd.s32 s19, s18  }
0xa2: {  	s7 =	simm.s32 $0x0;
	s20 =	sshll.u32 s5, $0x1;
	s5 =	sadd.s32 s21, s3  }
0xa3: {  	[timem:s7], [sflag:s22] =	dma.local [hbm:s5], s20  }
0xa4: {  	_ =	swait.ge [sflag:s22], s20  }
0xa5: {  	s4 =	ssub.s32 $0x0, s20;
	[sflag:s22] =	ssyncset.done $0x0  }
0xa6: {  	[sflag:s22] =	ssyncadd.s32 s4;
	_ =	sdelay $0x1  }
0xa7: {  	s23 =	simm.s32 $0x1B8B  }
0xa8: {  	_ =	swait.ge [sflag:s23], $0x1  }
0xa9: {  	[sflag:s23] =	ssyncset.done $0x0  }
0xaa: {  	s25 =	simm.s32 $0x1B8E;
	s24 =	sld [smem:$0x3FFE];
	[sflag:s23] =	ssyncadd.s32 $0xFFFFFFFF  }
0xab: {  	s26 =	simm.s32 $execute0_lowered;
	[smem:$0x3FD2] =	sst s25  }
0xac: {  	s5 =	sshll.u32 s26, $0x1;
	_ =	strace $0x8000004C;
	[dreg:$0x1] =	wrdreg $0xFFFFFFFF  }
0xad: {  	s28 =	simm.s32 $_size_execute0_lowered;
	s3 =	sadd.s32 s3, s5;
	[dreg:$0x0] =	wrdreg $0x0  }
0xae: {  	s5 =	sshll.u32 s28, $0x1;
	[dreg:$0x2] =	wrdreg s3  }
0xaf: {  	[dreg:$0x3] =	wrdreg s5  }
0xb0: {  	[dreg:$0x4] =	wrdreg $0xC0  }
0xb1: {  	_ =	task [dreg:s7], $0x5FFFF  }
0xb2: {  	[dreg:$0x1] =	wrdreg $0xFFFFFFFF  }
0xb3: {  	[dreg:$0x0] =	wrdreg $0x60  }
0xb4: {  	[dreg:$0x2] =	wrdreg s24  }
0xb5: {  	[dreg:$0x3] =	wrdreg s16  }
0xb6: {  	[dreg:$0x4] =	wrdreg $0x51000  }
0xb7: {  	[dreg:$0x5] =	wrdreg $0x191000  }
0xb8: {  	[dreg:$0x6] =	wrdreg $0x9  }
0xb9: {  	_ =	task.clear_ibuf [dreg:s7], $0x7FFFF;
	_ =	strace $0x9000004C  }
0xba: {  	s29 =	simm.s32 $0x9;
	_ =	strace $0x8000004E  }
0xbb: {  	_ =	swait.ge [sflag:s29], $0x1  }
0xbc: {  	[sflag:s29] =	ssyncadd.s32 $0xFFFFFFFF  }
0xbd: {  	_ =	strace $0x9000004E  }
0xbe: {  	_ =	sfence  }
0xbf: {  	s30 =	sld [smem:$0x0];
	_ =	sdelay $0x2  }
0xc0: {  	s31 =	sshll.u32 s1, $0xD;
	s1 =	sshrl.u32 s1, $0x2  }
0xc1: {  	s3 =	sand.u32 $0x4000, s31;
	s1 =	sadd.s32 s1, s30  }
0xc2: {  	s0 =	sor.u32 s3, s0;
	s1 =	sshll.u32 s1, $0x11  }
0xc3: {  	s0 =	sor.u32 s1, s0  }
0xc4: {  	s0 =	sadd.s32 $0x8F2B, s0  }
0xc5: {  	[sflag:s0] =	ssyncadd.remote.s32 $0x1  }
0xc6: {  	_ =	sfence.sel $0xFFFF  }
0xc7: {  	[dreg:$0x0] =	wrdreg $0xFFFFFFFF;
	(pc) =	sbr.abs _section_cstart, $3  }
0xc8: {  	[dreg:$0x1] =	wrdreg $0xFFFFFFFF  }
0xc9: {  	_ =	task.clear_ibuf [dreg:s7], $0x2FFFF;
	_ =	strace $0x9FFFFFFF  }
0xca: {  	(tm) =	ssettm $0x7FFFFFFF  }
0xcb: {  	_ =	shalt  }
tec
execute0_lowered:
.L_overlay_start_1:
0x0: {  	(tag) =	ssettag $0x1  }
0x1: {  	s5 =	rddreg [dreg:$0x0]  }
0x2: {  	s1 =	rddreg [dreg:$0x1]  }
0x3: {  	s6 =	rddreg [dreg:$0x2]  }
0x4: {  	s3 =	rddreg [dreg:$0x3]  }
0x5: {  	s0 =	srdreg.scid;
	s2 =	rddreg [dreg:$0x4];
	s4 =	simm.s32 $0x0  }
0x6: {  	s13 =	simm.s32 $0x80;
	s14 =	simm.s32 $0x2900;
	s15 =	simm.s32 $0x1  }
0x7: {  	s16 =	simm.s32 $0x2;
	s7 =	sand.u32 $0x1, s0;
	s0 =	stileid.u32  }
0x8: {  	s17 =	simm.s32 $0x0;
	[smem:$0x7FF] =	sst s4;
	s8 =	smul.u32 $0x140000, s7  }
0x9: {  	s9 =	sshll.u32 s7, $0x4;
	s10 =	smul.u32 $0x14000, s0;
	_ =	strace $0x8000004D  }
0xa: {  	s30 =	smul.u32 $0x50000, s0;
	s31 =	ssub.s32 $0x2, s7;
	s9 =	sor.u32 s0, s9  }
0xb: {  	s11 =	sshll.u32 s0, $0x6;
	s7 =	sshrl.u32 s31, $0x1;
	s9 =	smul.u32 $0xFA0, s9  }
0xc: {  	s8 =	sadd.s32 s10, s8;
	s10 =	sshrl.u32 s30, $0x2;
	s12 =	ssub.s32 s31, s7  }
0xd: {  	s8 =	sshrl.u32 s8, $0x3;
	s10 =	sadd.s32 s10, s6;
	s9 =	sadd.s32 s9, s5  }
0xe: {  	s8 =	sadd.s32 s8, s5;
	s5 =	sor.u32 $0x1C03, s11;
	s11 =	simm.s32 $0x50  }
0xf: {  	s6 =	sadd.s32 $0x13000, s9;
	s7 =	sadd.s32 $0x59600, s8;
	s8 =	smax.u32 s12, $0x1  }
0x10: {  	s9 =	sshrl.u32 s10, $0x3;
	s10 =	simm.s32 $0x3;
	s12 =	simm.s32 $0x100  }
.LBB2_1:
0x11: {  	[spmem:s9], [sflag:s5] =	dma.local [hbm:s1], $0x2800  }
0x12: {  	_ =	swait.ge [sflag:s10], $0x2800  }
0x13: {  	[sflag:s10] =	ssyncset.done $0x0  }
0x14: {  	[sflag:s10] =	ssyncadd.s32 $0xFFFFD800  }
0x15: {  	[tilespmem:s4], [sflag:$0x3] =	stream.linear.gather [hbm4b:s6+s4], $0x100, $0x38;
	[tilespmem:$0x1E100] =	vst v63  }
0x16: {  	_ =	swait.ge [sflag:s10], $0x100  }
0x17: {  	[sflag:s10] =	ssyncset.done $0x0  }
0x18: {  	[sflag:s10] =	ssyncadd.s32 $0xFFFFFF00  }
0x19: {  	[bflag:$0x0] =	sbarrier.arrive $0xFFFF  }
0x1a: {  	[tilespmem:s12], [sflag:$0x1] =	stream.indirect.gather [spmem:s3], $0x20, s4, s11, $0xb8;
	[tilespmem:$0x1E100] =	vst v63  }
0x1b: {  	_ = 	snop  }
0x1c: {  	[spmem:s3] =	stream.indirect.scatter.add.f32 [tilespmem:s14], [sflag:$0x2], $0x20, s13, s11, $0xb8;
	[tilespmem:$0x1E100] =	vst v63  }
0x1d: {  	s18 =	simm.s32 $0x7C  }
0x1e: {  	[tilespmem:s12], [sflag:$0x1] =	stream.indirect.gather [spmem:s3], $0x20, s4, s11, $0xb8;
	[tilespmem:$0x1E100] =	vst v63  }
.LBB2_2:
0x1f: {  	[spmem:s3] =	stream.indirect.scatter.add.f32 [tilespmem:s14], [sflag:$0x2], $0x20, s13, s11, $0xb8;
	[tilespmem:$0x1E100] =	vst v63  }
0x20: {  	p0 =	sne.s32 s18, $0x1;
	s18 =	sadd.s32 $0xFFFFFFFF, s18  }
0x21: {  	[tilespmem:s12], [sflag:$0x1] =	stream.indirect.gather [spmem:s3], $0x20, s4, s11, $0xb8;
	[tilespmem:$0x1E100] =	vst v63  }
.Ltmp0:
0x22: {  	_ = 	snop;
	(pc) =	sbr.rel @p0 .LBB2_2-.Ltmp0, $4  }
0x23: {  	_ = 	snop  }
0x24: {  	[spmem:s3] =	stream.indirect.scatter.add.f32 [tilespmem:s14], [sflag:$0x2], $0x20, s13, s11, $0xb8;
	[tilespmem:$0x1E100] =	vst v63  }
0x25: {  	_ = 	snop  }
0x26: {  	[tilespmem:s12], [sflag:$0x1] =	stream.indirect.gather [spmem:s3], $0x20, s4, s11, $0xb8;
	[tilespmem:$0x1E100] =	vst v63  }
0x27: {  	[spmem:s3] =	stream.indirect.scatter.add.f32 [tilespmem:s14], [sflag:$0x2], $0x20, s13, s11, $0xb8;
	[tilespmem:$0x1E100] =	vst v63  }
0x28: {  	_ =	swait.ge [sflag:s15], $0xA00  }
0x29: {  	[sflag:s15] =	ssyncset.done $0x0  }
0x2a: {  	[sflag:s15] =	ssyncadd.s32 $0xFFFFF600  }
0x2b: {  	_ =	swait.ge [sflag:s16], $0xA00  }
0x2c: {  	[sflag:s16] =	ssyncset.done $0x0  }
0x2d: {  	[sflag:s16] =	ssyncadd.s32 $0xFFFFF600  }
0x2e: {  	_ =	swait.ge [sflag:s15], $0xA00  }
0x2f: {  	[sflag:s15] =	ssyncset.done $0x0  }
0x30: {  	[sflag:s15] =	ssyncadd.s32 $0xFFFFF600  }
0x31: {  	_ =	swait.ge [sflag:s16], $0xA00  }
0x32: {  	s18 =	simm.s32 $0x7C;
	[sflag:s16] =	ssyncset.done $0x0  }
.LBB2_4:
0x33: {  	p0 =	sne.s32 s18, $0x1;
	s18 =	sadd.s32 $0xFFFFFFFF, s18;
	[sflag:s16] =	ssyncadd.s32 $0xFFFFF600  }
0x34: {  	_ =	swait.ge [sflag:s15], $0xA00  }
0x35: {  	[sflag:s15] =	ssyncset.done $0x0  }
0x36: {  	[sflag:s15] =	ssyncadd.s32 $0xFFFFF600  }
0x37: {  	_ =	swait.ge [sflag:s16], $0xA00  }
0x38: {  	[sflag:s16] =	ssyncset.done $0x0  }
0x39: {  	[sflag:s16] =	ssyncadd.s32 $0xFFFFF600  }
.Ltmp1:
0x3a: {  	_ =	swait.ge [sflag:s15], $0xA00;
	(pc) =	sbr.rel @p0 .LBB2_4-.Ltmp1, $4  }
0x3b: {  	[sflag:s15] =	ssyncset.done $0x0  }
0x3c: {  	[sflag:s15] =	ssyncadd.s32 $0xFFFFF600  }
0x3d: {  	_ =	swait.ge [sflag:s16], $0xA00  }
0x3e: {  	[sflag:s16] =	ssyncset.done $0x0  }
0x3f: {  	s17 =	sadd.s32 $0x1, s17  }
0x40: {  	[sflag:s16] =	ssyncadd.s32 $0xFFFFF600;
	p0 =	sne.s32 s17, s8  }
.Ltmp2:
0x41: {  	[bflag:$0x0] =	sbarrier.arrive $0xFFFF;
	(pc) =	sbr.rel @p0 .LBB2_1-.Ltmp2, $4  }
0x42: {  	[hbm:s7], [sflag:s5] =	dma.local [spmem:s9], $0x2800  }
0x43: {  	_ =	swait.ge [sflag:s10], $0x2800  }
0x44: {  	[sflag:s10] =	ssyncset.done $0x0  }
0x45: {  	[sflag:s10] =	ssyncadd.s32 $0xFFFFD800  }
0x46: {  	_ =	sfence.sel $0x180000  }
0x47: {  	[bflag:$0x0] =	sbarrier.arrive $0xFFFF  }
0x48: {  	p0 =	sne.s32 s0, $0x0;
	_ =	strace $0x9000004D  }
0x49: {  	s0 =	sadd.s32 @!p0 $0x100000, s2;
	[bflag:$0x2] =	sbarrier.arrive $0xFFFF  }
0x4a: {  	[sflag:s0] =	ssyncadd.tile.s32 @!p0 $0x1;
	_ =	shalt  }
.Lfunc_end2:
_tile_overlayer_lowered:
.L_overlay_start_2:
0x4b: {  	(tag) =	ssettag $0x2  }
0x4c: {  	s0 =	rddreg [dreg:$0x0];
	s2 =	stileid.u32  }
0x4d: {  	s1 =	rddreg [dreg:$0x1];
	p0 =	sne.s32 s2, $0x0  }
0x4e: {  	s3 =	rddreg [dreg:$0x2];
	[bflag:$0x3] =	sbarrier.arrive $0xFFFF;
	s2 =	simm.s32 @!p0 $0x1C03  }
0x4f: {  	[timem:s3], [sflag:s2] =	dma.local @!p0 [hbm:s0], s1  }
0x50: {  	s0 =	simm.s32 @!p0 $0x3  }
0x51: {  	_ =	swait.ge @!p0 [sflag:s0], s1  }
0x52: {  	s1 =	ssub.s32 @!p0 $0x0, s1;
	[sflag:s0] =	ssyncset.done @!p0 $0x0  }
0x53: {  	[sflag:s0] =	ssyncadd.s32 @!p0 s1  }
0x54: {  	[bflag:$0x3] =	sbarrier.arrive $0xFFFF  }
0x55: {  	_ =	shalt  }

</sc_bundles>
